<compile_context>
chip_gen: v7x
topology: tpu7x:2x2x1
jax: 0.10.2.dev20260603
libtpu: 0.0.44.dev20260713+nightly
codegen_flags: <defaults>
</compile_context>

<pallas_src>
import dataclasses
import functools

import jax
import jax.numpy as jnp
from jax import lax
from jax.experimental import pallas as pl
from jax.experimental.pallas import tpu as pltpu
from jax.experimental.pallas import tpu_sc as plsc

N_NODES = 10000
N_EDGES = 320000
D = 128

NC = 2
NS = 16
NW = NC * NS
E_PER_TILE = N_EDGES // NW
CHUNK = 80
N_CHUNKS = E_PER_TILE // CHUNK
N_PAD = 10240
ROWS_PER_TILE = N_PAD // NS
BR = 1024

_mesh = plsc.VectorSubcoreMesh(
    core_axis_name="c", subcore_axis_name="s", num_cores=NC, num_subcores=NS
)

_cp = pltpu.CompilerParams()
if "needs_layout_passes" in pltpu.CompilerParams.__dataclass_fields__:
    _cp = dataclasses.replace(_cp, needs_layout_passes=False)


def _deg_partials(dst_flat):

    @functools.partial(
        pl.kernel,
        out_type=jax.ShapeDtypeStruct((NC, NS, N_PAD), jnp.float32),
        mesh=_mesh,
        scratch_types=[
            pltpu.VMEM((E_PER_TILE,), jnp.int32),
            pltpu.VMEM((N_PAD,), jnp.float32),
        ],
        compiler_params=_cp,
    )
    def k(dst_hbm, degp_hbm, didx, hist):
        cid = lax.axis_index("c")
        sid = lax.axis_index("s")
        ebase = (cid * NS + sid) * E_PER_TILE
        pltpu.sync_copy(dst_hbm.at[pl.ds(ebase, E_PER_TILE)], didx)

        @pl.loop(0, N_PAD, step=16)
        def _(i):
            hist[pl.ds(i, 16)] = jnp.zeros((16,), jnp.float32)

        ones16 = jnp.ones((16,), jnp.float32)

        @pl.loop(0, E_PER_TILE, step=16)
        def _(k):
            plsc.addupdate_scatter(hist, [didx[pl.ds(k, 16)]], ones16)

        pltpu.sync_copy(hist, degp_hbm.at[cid, sid])

    return k(dst_flat)


def _scaled_linear(x, W, degp):

    def body(x_ref, w_ref, d_ref, o_ref, dv_ref):
        h = lax.dot_general(
            x_ref[...],
            w_ref[...],
            (((1,), (1,)), ((), ())),
            preferred_element_type=jnp.float32,
            precision=lax.Precision.HIGHEST,
        )
        deg = jnp.sum(d_ref[0] + d_ref[1], axis=0)
        dinv = jnp.where(deg > 0, lax.rsqrt(jnp.maximum(deg, 1e-12)), 0.0)
        o_ref[...] = h * dinv[:, None]
        dv_ref[...] = dinv[:, None]

    return pl.pallas_call(
        body,
        grid=(N_PAD // BR,),
        in_specs=[
            pl.BlockSpec((BR, D), lambda i: (i, 0)),
            pl.BlockSpec((D, D), lambda i: (0, 0)),
            pl.BlockSpec((NC, NS, BR), lambda i: (0, 0, i)),
        ],
        out_specs=[
            pl.BlockSpec((BR, D), lambda i: (i, 0)),
            pl.BlockSpec((BR, 1), lambda i: (i, 0)),
        ],
        out_shape=[
            jax.ShapeDtypeStruct((N_PAD, D), jnp.float32),
            jax.ShapeDtypeStruct((N_PAD, 1), jnp.float32),
        ],
    )(x, W, degp)


def _gather_scatter(hs, src_flat, dst3):

    @functools.partial(
        pl.kernel,
        out_type=jax.ShapeDtypeStruct((NC, N_PAD, D), jnp.float32),
        mesh=_mesh,
        scratch_types=[
            pltpu.VMEM((N_CHUNKS, CHUNK), jnp.int32),
            pltpu.VMEM((CHUNK,), jnp.int32),
            pltpu.VMEM((CHUNK,), jnp.int32),
            pltpu.VMEM((CHUNK, D), jnp.float32),
            pltpu.VMEM((CHUNK, D), jnp.float32),
            pltpu.VMEM_SHARED((N_PAD, D), jnp.float32),
            pltpu.SemaphoreType.DMA,
            pltpu.SemaphoreType.DMA,
            pltpu.SemaphoreType.DMA,
            pltpu.SemaphoreType.DMA,
        ],
    )
    def k(hs_hbm, src_hbm, dst_hbm, acc_hbm,
          didx, sidxa, sidxb, rowsa, rowsb, acc_sh, gsema, gsemb, isema, isemb):
        cid = lax.axis_index("c")
        sid = lax.axis_index("s")
        wid = cid * NS + sid
        row0 = sid * ROWS_PER_TILE
        ebase = wid * E_PER_TILE

        def sload(c, buf, sem):
            c = jnp.minimum(c, N_CHUNKS - 1)
            pltpu.async_copy(src_hbm.at[pl.ds(ebase + c * CHUNK, CHUNK)],
                             buf, sem)

        def swait(buf, sem):
            pltpu.make_async_copy(src_hbm.at[pl.ds(ebase, CHUNK)],
                                  buf, sem).wait()

        def gstart(buf, idx, sem):
            pltpu.async_copy(hs_hbm.at[idx], buf, sem)

        def gwait(buf, idx, sem):
            pltpu.make_async_copy(hs_hbm.at[idx], buf, sem).wait()

        def scatter(buf, c):
            pltpu.sync_copy(buf, acc_sh.at[didx.at[c]], add=True)

        @pl.loop(0, CHUNK)
        def _(i):
            @pl.loop(0, D, step=16)
            def _(j):
                rowsa[i, pl.ds(j, 16)] = jnp.zeros((16,), jnp.float32)

        @pl.loop(0, ROWS_PER_TILE, step=CHUNK)
        def _(r):
            @pl.loop(0, CHUNK, step=16)
            def _(i):
                sidxa[pl.ds(i, 16)] = lax.iota(jnp.int32, 16) + (row0 + r + i)
            pltpu.sync_copy(rowsa, acc_sh.at[sidxa])
        plsc.subcore_barrier()

        pltpu.sync_copy(dst_hbm.at[wid], didx)

        pltpu.sync_copy(src_hbm.at[pl.ds(ebase, CHUNK)], sidxa)
        gstart(rowsa, sidxa, gsema)
        pltpu.sync_copy(src_hbm.at[pl.ds(ebase + CHUNK, CHUNK)], sidxb)
        gstart(rowsb, sidxb, gsemb)

        @pl.loop(0, N_CHUNKS - 1, step=2)
        def _(j):
            gwait(rowsa, sidxa, gsema)
            sload(j + 2, sidxa, isema)
            scatter(rowsa, j)
            swait(sidxa, isema)
            gstart(rowsa, sidxa, gsema)
            gwait(rowsb, sidxb, gsemb)
            sload(j + 3, sidxb, isemb)
            scatter(rowsb, j + 1)
            swait(sidxb, isemb)
            gstart(rowsb, sidxb, gsemb)

        gwait(rowsa, sidxa, gsema)
        scatter(rowsa, N_CHUNKS - 1)
        gwait(rowsb, sidxb, gsemb)

        plsc.subcore_barrier()
        pltpu.sync_copy(
            acc_sh.at[pl.ds(row0, ROWS_PER_TILE)],
            acc_hbm.at[cid, pl.ds(row0, ROWS_PER_TILE)],
        )

    return k(hs, src_flat, dst3)


def _epilogue(accp, dinv):
    EBR = 1000

    def body(a_ref, dv_ref, o_ref):
        o = (a_ref[0] + a_ref[1]) * dv_ref[...]
        o_ref[...] = jnp.maximum(o, 0.0) + o

    return pl.pallas_call(
        body,
        grid=(N_NODES // EBR,),
        in_specs=[
            pl.BlockSpec((NC, EBR, D), lambda i: (0, i, 0)),
            pl.BlockSpec((EBR, 1), lambda i: (i, 0)),
        ],
        out_specs=pl.BlockSpec((EBR, D), lambda i: (i, 0)),
        out_shape=jax.ShapeDtypeStruct((N_NODES, D), jnp.float32),
    )(accp, dinv)


@jax.jit
def kernel(x, edge_index, edge_attr, W):
    src_flat = edge_index[0]
    dst_flat = edge_index[1]
    dst3 = dst_flat.reshape(NW, N_CHUNKS, CHUNK)
    degp = _deg_partials(dst_flat)
    hs, dinv = _scaled_linear(x, W, degp)
    accp = _gather_scatter(hs, src_flat, dst3)
    return _epilogue(accp, dinv)

# --- scband reference (transcript-rebuilt; emitter-appended) ---
"""Pipeline reference for scband-gnn-44942537785535 (READ-ONLY COPY).

The authoritative reference and input builder live on the scoring server;
editing this copy changes nothing except your own understanding.
"""

import jax, jax.numpy as jnp
import numpy as np

N_NODES = 10000
N_EDGES = 320000
D_FEAT = 128
D_EDGE = 4
D_OUT = 128


def setup_inputs(seed: int = 0) -> dict:
    key = jax.random.key(seed)
    k1, k2, k3, k4 = jax.random.split(key, 4)
    x = jax.random.normal(k1, (N_NODES, D_FEAT), dtype=jnp.float32)
    edge_index = jax.random.randint(k2, (2, N_EDGES), 0, N_NODES, dtype=jnp.int32)
    edge_attr = jax.random.normal(k3, (N_EDGES, D_EDGE), dtype=jnp.float32)
    # GCNConv weight (Linear with bias=False): shape [out_channels, in_channels]
    W = jax.random.normal(k4, (D_OUT, D_FEAT), dtype=jnp.float32) * (1.0 / np.sqrt(D_FEAT))
    return {"x": x, "edge_index": edge_index, "edge_attr": edge_attr, "W": W}


def reference(x, edge_index, edge_attr, W):
    # GNNBlock forward with type='GCN', add_self_loops=False, bias=False,
    # norm=None, residual='normal', activation=ReLU.
    # edge_attr is read for its shape in the original forward but unused by GCNConv here.
    src = edge_index[0]
    dst = edge_index[1]
    n = x.shape[0]
    # symmetric GCN normalization (edge_weight = 1), deg computed over dst (col)
    deg = jnp.zeros((n,), dtype=x.dtype).at[dst].add(1.0)
    deg_inv_sqrt = jnp.where(deg > 0, jax.lax.rsqrt(jnp.maximum(deg, 1e-12)), 0.0)
    norm = deg_inv_sqrt[src] * deg_inv_sqrt[dst]
    # linear transform
    h = x @ W.T
    # gather messages from src nodes, scale, scatter-add into dst nodes
    msg = h[src] * norm[:, None]
    out = jnp.zeros((n, h.shape[1]), dtype=h.dtype).at[dst].add(msg)
    # residual = 'normal': x = activation(x) + x
    out = jax.nn.relu(out) + out
    return out

if __name__ == "__main__":
    import jax
    _d = setup_inputs()
    print(jax.jit(kernel)(*tuple(_d.values())))

</pallas_src>

<mosaic_0001>
#map = affine_map<(d0, d1) -> (0, 0)>
#map1 = affine_map<(d0, d1) -> (0)>
#map2 = affine_map<(d0, d1) -> (0, 0, 0)>
module attributes {stable_mosaic.version = 14 : i64} {
  func.func @k(%arg0: i32, %arg1: i32, %arg2: memref<10240x128xf32, #tpu.memory_space<hbm>>, %arg3: memref<320000xi32, #tpu.memory_space<hbm>>, %arg4: memref<32x125x80xi32, #tpu.memory_space<hbm>>, %arg5: memref<2x10240x128xf32, #tpu.memory_space<hbm>>, %arg6: memref<125x80xi32, #tpu.memory_space<vmem>>, %arg7: memref<80xi32, #tpu.memory_space<vmem>>, %arg8: memref<80xi32, #tpu.memory_space<vmem>>, %arg9: memref<80x128xf32, #tpu.memory_space<vmem>>, %arg10: memref<80x128xf32, #tpu.memory_space<vmem>>, %arg11: memref<10240x128xf32, #tpu.memory_space<vmem_shared>>, %arg12: memref<!tpu.dma_semaphore, #tpu.memory_space<semaphore_mem>>, %arg13: memref<!tpu.dma_semaphore, #tpu.memory_space<semaphore_mem>>, %arg14: memref<!tpu.dma_semaphore, #tpu.memory_space<semaphore_mem>>, %arg15: memref<!tpu.dma_semaphore, #tpu.memory_space<semaphore_mem>>) attributes {dimension_semantics = [#tpu.dimension_semantics<core_parallel>, #tpu.dimension_semantics<subcore_parallel>], iteration_bounds = array<i64: 2, 16>, scalar_prefetch = 0 : i64, scratch_operands = 10 : i64, tpu.core_type = #tpu.core_type<sc_vector_subcore>, window_params = [{transform_indices = #map}, {transform_indices = #map1}, {transform_indices = #map2}, {transform_indices = #map2}]} {
    %mul3A = arith.constant 16 : i32
    %mul3A_0 = arith.muli %arg0, %mul3A : i32
    %add3A = arith.addi %mul3A_0, %arg1 : i32
    %mul3A_1 = arith.constant 640 : i32
    %mul3A_2 = arith.muli %arg1, %mul3A_1 : i32
    %mul3A_3 = arith.constant 10000 : i32
    %mul3A_4 = arith.muli %add3A, %mul3A_3 : i32
    %scan3A = arith.constant 0 : i32
    %scan3A_5 = arith.constant 80 : i32
    %scan3A_6 = arith.addi %scan3A, %scan3A_5 : i32
    %scan3A_7 = arith.constant 1 : i32
    scf.for %scan3A_32 = %scan3A to %scan3A_6 step %scan3A_7  : i32 {
      %mul3A_33 = arith.constant 1 : i32
      %mul3A_34 = arith.muli %scan3A_32, %mul3A_33 : i32
      %add3A_35 = arith.constant 0 : i32
      %add3A_36 = arith.addi %add3A_35, %mul3A_34 : i32
      %scan3A_37 = arith.constant 0 : i32
      %scan3A_38 = arith.constant 8 : i32
      %scan3A_39 = arith.addi %scan3A_37, %scan3A_38 : i32
      %scan3A_40 = arith.constant 1 : i32
      scf.for %scan3A_42 = %scan3A_37 to %scan3A_39 step %scan3A_40  : i32 {
        %mul3A_43 = arith.constant 16 : i32
        %mul3A_44 = arith.muli %scan3A_42, %mul3A_43 : i32
        %add3A_45 = arith.constant 0 : i32
        %add3A_46 = arith.addi %add3A_45, %mul3A_44 : i32
        %broadcast_in_dim3A = arith.constant 0.000000e+00 : f32
        %broadcast_in_dim3A_47 = vector.broadcast %broadcast_in_dim3A : f32 to vector<16xf32>
        %swap3A = arith.index_cast %add3A_36 : i32 to index
        %swap3A_48 = arith.index_cast %add3A_46 : i32 to index
        %swap3A_49 = tpu.vector_load %arg9[%swap3A, %swap3A_48] {strides = array<i32>} : memref<80x128xf32, #tpu.memory_space<vmem>>, vector<1x16xf32>,
        %swap3A_50 = vector.shape_cast %swap3A_49 : vector<1x16xf32> to vector<16xf32>
        %swap3A_51 = vector.shape_cast %broadcast_in_dim3A_47 : vector<16xf32> to vector<1x16xf32>
        tpu.vector_store %arg9[%swap3A, %swap3A_48], %swap3A_51 {strides = array<i32>} : memref<80x128xf32, #tpu.memory_space<vmem>>, vector<1x16xf32>,
      }
      %scan3A_41 = arith.constant 8 : i32
    }
    %scan3A_8 = arith.constant 80 : i32
    %scan3A_9 = arith.constant 0 : i32
    %scan3A_10 = arith.constant 8 : i32
    %scan3A_11 = arith.addi %scan3A_9, %scan3A_10 : i32
    %scan3A_12 = arith.constant 1 : i32
    scf.for %scan3A_32 = %scan3A_9 to %scan3A_11 step %scan3A_12  : i32 {
      %mul3A_33 = arith.constant 80 : i32
      %mul3A_34 = arith.muli %scan3A_32, %mul3A_33 : i32
      %add3A_35 = arith.constant 0 : i32
      %add3A_36 = arith.addi %add3A_35, %mul3A_34 : i32
      %scan3A_37 = arith.constant 0 : i32
      %scan3A_38 = arith.constant 5 : i32
      %scan3A_39 = arith.addi %scan3A_37, %scan3A_38 : i32
      %scan3A_40 = arith.constant 1 : i32
      scf.for %scan3A_42 = %scan3A_37 to %scan3A_39 step %scan3A_40  : i32 {
        %mul3A_43 = arith.constant 16 : i32
        %mul3A_44 = arith.muli %scan3A_42, %mul3A_43 : i32
        %add3A_45 = arith.constant 0 : i32
        %add3A_46 = arith.addi %add3A_45, %mul3A_44 : i32
        %iota3A = tpu.iota {dimensions = array<i32: 0>} : vector<16xi32>
        %add3A_47 = arith.addi %mul3A_2, %add3A_36 : i32
        %add3A_48 = arith.addi %add3A_47, %add3A_46 : i32
        %add3A_49 = vector.broadcast %add3A_48 : i32 to vector<16xi32>
        %add3A_50 = arith.addi %iota3A, %add3A_49 : vector<16xi32>
        %swap3A = arith.index_cast %add3A_46 : i32 to index
        %swap3A_51 = tpu.vector_load %arg7[%swap3A] {strides = array<i32>} : memref<80xi32, #tpu.memory_space<vmem>>, vector<16xi32>,
        %swap3A_52 = vector.shape_cast %swap3A_51 : vector<16xi32> to vector<16xi32>
        %swap3A_53 = vector.shape_cast %add3A_50 : vector<16xi32> to vector<16xi32>
        tpu.vector_store %arg7[%swap3A], %swap3A_53 {strides = array<i32>} : memref<80xi32, #tpu.memory_space<vmem>>, vector<16xi32>,
      }
      %scan3A_41 = arith.constant 5 : i32
      "tpu.region"() ({
        %run_scoped3A_42 = tpu.sem_alloc : memref<!tpu.dma_semaphore, #tpu.memory_space<semaphore_mem>>
        %dma_start3A_43 = arith.constant 0 : i32
        %dma_start3A_44 = arith.constant 0 : i32
        %dma_start3A_45 = tpu.memref_slice %arg11[%dma_start3A_43, %dma_start3A_44] : memref<10240x128xf32, #tpu.memory_space<vmem_shared>> -> memref<10240x128xf32, #tpu.memory_space<vmem_shared>>
        tpu.enqueue_indirect_dma source(%arg9 : memref<80x128xf32, #tpu.memory_space<vmem>>) target(%dma_start3A_45 : memref<10240x128xf32, #tpu.memory_space<vmem_shared>>) offsets(%arg7 : memref<80xi32, #tpu.memory_space<vmem>>) semaphore(%run_scoped3A_42 : memref<!tpu.dma_semaphore, #tpu.memory_space<semaphore_mem>>)
        %dma_wait3A_46 = arith.constant 0 : i32
        %dma_wait3A_47 = arith.constant 0 : i32
        %dma_wait3A_48 = tpu.memref_slice %arg11[%dma_wait3A_46, %dma_wait3A_47] : memref<10240x128xf32, #tpu.memory_space<vmem_shared>> -> memref<10240x128xf32, #tpu.memory_space<vmem_shared>>
        tpu.wait_indirect_dma semaphore(%run_scoped3A_42 : memref<!tpu.dma_semaphore, #tpu.memory_space<semaphore_mem>>) src(%arg9 : memref<80x128xf32, #tpu.memory_space<vmem>>) dst(%dma_wait3A_48 : memref<10240x128xf32, #tpu.memory_space<vmem_shared>>)
        tpu.yield
      }) : () -> ()
    }
    %scan3A_13 = arith.constant 8 : i32
    %barrier3A = arith.constant 0 : index
    tpu.barrier barrier_id(%barrier3A)
    "tpu.region"() ({
      %run_scoped3A_32 = tpu.sem_alloc : memref<!tpu.dma_semaphore, #tpu.memory_space<semaphore_mem>>
      %dma_start3A_33 = arith.constant 0 : i32
      %dma_start3A_34 = arith.constant 0 : i32
      %dma_start3A_35 = tpu.memref_slice %arg4[%add3A, %dma_start3A_33, %dma_start3A_34] : memref<32x125x80xi32, #tpu.memory_space<hbm>> -> memref<1x125x80xi32, #tpu.memory_space<hbm>>
      %dma_start3A_36 = tpu.memref_squeeze %dma_start3A_35 : memref<1x125x80xi32, #tpu.memory_space<hbm>> -> memref<125x80xi32, #tpu.memory_space<hbm>>
      %dma_start3A_37 = arith.constant 0 : i32
      %dma_start3A_38 = arith.constant 0 : i32
      %dma_start3A_39 = tpu.memref_slice %arg4[%add3A, %dma_start3A_37, %dma_start3A_38] : memref<32x125x80xi32, #tpu.memory_space<hbm>> -> memref<1x125x80xi32, #tpu.memory_space<hbm>>
      %dma_start3A_40 = tpu.memref_squeeze %dma_start3A_39 : memref<1x125x80xi32, #tpu.memory_space<hbm>> -> memref<125x80xi32, #tpu.memory_space<hbm>>
      tpu.enqueue_dma source(%dma_start3A_40 : memref<125x80xi32, #tpu.memory_space<hbm>>) target(%arg6 : memref<125x80xi32, #tpu.memory_space<vmem>>) target_semaphore(%run_scoped3A_32 : memref<!tpu.dma_semaphore, #tpu.memory_space<semaphore_mem>>)
      %dma_wait3A_41 = arith.constant 0 : i32
      %dma_wait3A_42 = arith.constant 0 : i32
      %dma_wait3A_43 = tpu.memref_slice %arg4[%add3A, %dma_wait3A_41, %dma_wait3A_42] : memref<32x125x80xi32, #tpu.memory_space<hbm>> -> memref<1x125x80xi32, #tpu.memory_space<hbm>>
      %dma_wait3A_44 = tpu.memref_squeeze %dma_wait3A_43 : memref<1x125x80xi32, #tpu.memory_space<hbm>> -> memref<125x80xi32, #tpu.memory_space<hbm>>
      %dma_wait3A_45 = arith.constant 0 : i32
      %dma_wait3A_46 = arith.constant 0 : i32
      %dma_wait3A_47 = tpu.memref_slice %arg4[%add3A, %dma_wait3A_45, %dma_wait3A_46] : memref<32x125x80xi32, #tpu.memory_space<hbm>> -> memref<1x125x80xi32, #tpu.memory_space<hbm>>
      %dma_wait3A_48 = tpu.memref_squeeze %dma_wait3A_47 : memref<1x125x80xi32, #tpu.memory_space<hbm>> -> memref<125x80xi32, #tpu.memory_space<hbm>>
      tpu.wait_dma2 semaphore(%run_scoped3A_32 : memref<!tpu.dma_semaphore, #tpu.memory_space<semaphore_mem>>) src(%dma_wait3A_48 : memref<125x80xi32, #tpu.memory_space<hbm>>) dst(%arg6 : memref<125x80xi32, #tpu.memory_space<vmem>>)
      tpu.yield
    }) : () -> ()
    "tpu.region"() ({
      %run_scoped3A_32 = tpu.sem_alloc : memref<!tpu.dma_semaphore, #tpu.memory_space<semaphore_mem>>
      %dma_start3A_33 = tpu.memref_slice %arg3[%mul3A_4] : memref<320000xi32, #tpu.memory_space<hbm>> -> memref<80xi32, #tpu.memory_space<hbm>>
      %dma_start3A_34 = tpu.memref_slice %arg3[%mul3A_4] : memref<320000xi32, #tpu.memory_space<hbm>> -> memref<80xi32, #tpu.memory_space<hbm>>
      tpu.enqueue_dma source(%dma_start3A_34 : memref<80xi32, #tpu.memory_space<hbm>>) target(%arg7 : memref<80xi32, #tpu.memory_space<vmem>>) target_semaphore(%run_scoped3A_32 : memref<!tpu.dma_semaphore, #tpu.memory_space<semaphore_mem>>)
      %dma_wait3A_35 = tpu.memref_slice %arg3[%mul3A_4] : memref<320000xi32, #tpu.memory_space<hbm>> -> memref<80xi32, #tpu.memory_space<hbm>>
      %dma_wait3A_36 = tpu.memref_slice %arg3[%mul3A_4] : memref<320000xi32, #tpu.memory_space<hbm>> -> memref<80xi32, #tpu.memory_space<hbm>>
      tpu.wait_dma2 semaphore(%run_scoped3A_32 : memref<!tpu.dma_semaphore, #tpu.memory_space<semaphore_mem>>) src(%dma_wait3A_36 : memref<80xi32, #tpu.memory_space<hbm>>) dst(%arg7 : memref<80xi32, #tpu.memory_space<vmem>>)
      tpu.yield
    }) : () -> ()
    %dma_start3A = arith.constant 0 : i32
    %dma_start3A_14 = arith.constant 0 : i32
    %dma_start3A_15 = tpu.memref_slice %arg2[%dma_start3A, %dma_start3A_14] : memref<10240x128xf32, #tpu.memory_space<hbm>> -> memref<10240x128xf32, #tpu.memory_space<hbm>>
    tpu.enqueue_indirect_dma source(%dma_start3A_15 : memref<10240x128xf32, #tpu.memory_space<hbm>>) target(%arg9 : memref<80x128xf32, #tpu.memory_space<vmem>>) offsets(%arg7 : memref<80xi32, #tpu.memory_space<vmem>>) semaphore(%arg12 : memref<!tpu.dma_semaphore, #tpu.memory_space<semaphore_mem>>)
    %add3A_16 = arith.constant 80 : i32
    %add3A_17 = arith.addi %mul3A_4, %add3A_16 : i32
    "tpu.region"() ({
      %run_scoped3A_32 = tpu.sem_alloc : memref<!tpu.dma_semaphore, #tpu.memory_space<semaphore_mem>>
      %dma_start3A_33 = tpu.memref_slice %arg3[%add3A_17] : memref<320000xi32, #tpu.memory_space<hbm>> -> memref<80xi32, #tpu.memory_space<hbm>>
      %dma_start3A_34 = tpu.memref_slice %arg3[%add3A_17] : memref<320000xi32, #tpu.memory_space<hbm>> -> memref<80xi32, #tpu.memory_space<hbm>>
      tpu.enqueue_dma source(%dma_start3A_34 : memref<80xi32, #tpu.memory_space<hbm>>) target(%arg8 : memref<80xi32, #tpu.memory_space<vmem>>) target_semaphore(%run_scoped3A_32 : memref<!tpu.dma_semaphore, #tpu.memory_space<semaphore_mem>>)
      %dma_wait3A_35 = tpu.memref_slice %arg3[%add3A_17] : memref<320000xi32, #tpu.memory_space<hbm>> -> memref<80xi32, #tpu.memory_space<hbm>>
      %dma_wait3A_36 = tpu.memref_slice %arg3[%add3A_17] : memref<320000xi32, #tpu.memory_space<hbm>> -> memref<80xi32, #tpu.memory_space<hbm>>
      tpu.wait_dma2 semaphore(%run_scoped3A_32 : memref<!tpu.dma_semaphore, #tpu.memory_space<semaphore_mem>>) src(%dma_wait3A_36 : memref<80xi32, #tpu.memory_space<hbm>>) dst(%arg8 : memref<80xi32, #tpu.memory_space<vmem>>)
      tpu.yield
    }) : () -> ()
    %dma_start3A_18 = arith.constant 0 : i32
    %dma_start3A_19 = arith.constant 0 : i32
    %dma_start3A_20 = tpu.memref_slice %arg2[%dma_start3A_18, %dma_start3A_19] : memref<10240x128xf32, #tpu.memory_space<hbm>> -> memref<10240x128xf32, #tpu.memory_space<hbm>>
    tpu.enqueue_indirect_dma source(%dma_start3A_20 : memref<10240x128xf32, #tpu.memory_space<hbm>>) target(%arg10 : memref<80x128xf32, #tpu.memory_space<vmem>>) offsets(%arg8 : memref<80xi32, #tpu.memory_space<vmem>>) semaphore(%arg13 : memref<!tpu.dma_semaphore, #tpu.memory_space<semaphore_mem>>)
    %scan3A_21 = arith.constant 0 : i32
    %scan3A_22 = arith.constant 62 : i32
    %scan3A_23 = arith.addi %scan3A_21, %scan3A_22 : i32
    %scan3A_24 = arith.constant 1 : i32
    scf.for %scan3A_32 = %scan3A_21 to %scan3A_23 step %scan3A_24  : i32 {
      %mul3A_33 = arith.constant 2 : i32
      %mul3A_34 = arith.muli %scan3A_32, %mul3A_33 : i32
      %add3A_35 = arith.constant 0 : i32
      %add3A_36 = arith.addi %add3A_35, %mul3A_34 : i32
      %dma_wait3A_37 = arith.constant 0 : i32
      %dma_wait3A_38 = arith.constant 0 : i32
      %dma_wait3A_39 = tpu.memref_slice %arg2[%dma_wait3A_37, %dma_wait3A_38] : memref<10240x128xf32, #tpu.memory_space<hbm>> -> memref<10240x128xf32, #tpu.memory_space<hbm>>
      tpu.wait_indirect_dma semaphore(%arg12 : memref<!tpu.dma_semaphore, #tpu.memory_space<semaphore_mem>>) src(%dma_wait3A_39 : memref<10240x128xf32, #tpu.memory_space<hbm>>) dst(%arg9 : memref<80x128xf32, #tpu.memory_space<vmem>>)
      %add3A_40 = arith.constant 2 : i32
      %add3A_41 = arith.addi %add3A_36, %add3A_40 : i32
      %min3A = arith.constant 124 : i32
      %min3A_42 = arith.minsi %add3A_41, %min3A : i32
      %mul3A_43 = arith.constant 80 : i32
      %mul3A_44 = arith.muli %min3A_42, %mul3A_43 : i32
      %add3A_45 = arith.addi %mul3A_4, %mul3A_44 : i32
      %dma_start3A_46 = tpu.memref_slice %arg3[%add3A_45] : memref<320000xi32, #tpu.memory_space<hbm>> -> memref<80xi32, #tpu.memory_space<hbm>>
      %dma_start3A_47 = tpu.memref_slice %arg3[%add3A_45] : memref<320000xi32, #tpu.memory_space<hbm>> -> memref<80xi32, #tpu.memory_space<hbm>>
      tpu.enqueue_dma source(%dma_start3A_47 : memref<80xi32, #tpu.memory_space<hbm>>) target(%arg7 : memref<80xi32, #tpu.memory_space<vmem>>) target_semaphore(%arg14 : memref<!tpu.dma_semaphore, #tpu.memory_space<semaphore_mem>>)
      "tpu.region"() ({
        %run_scoped3A_72 = tpu.sem_alloc : memref<!tpu.dma_semaphore, #tpu.memory_space<semaphore_mem>>
        %dma_start3A_73 = arith.constant 0 : i32
        %dma_start3A_74 = tpu.memref_slice %arg6[%add3A_36, %dma_start3A_73] : memref<125x80xi32, #tpu.memory_space<vmem>> -> memref<1x80xi32, #tpu.memory_space<vmem>>
        %dma_start3A_75 = tpu.memref_squeeze %dma_start3A_74 : memref<1x80xi32, #tpu.memory_space<vmem>> -> memref<80xi32, #tpu.memory_space<vmem>>
        %dma_start3A_76 = arith.constant 0 : i32
        %dma_start3A_77 = arith.constant 0 : i32
        %dma_start3A_78 = tpu.memref_slice %arg11[%dma_start3A_76, %dma_start3A_77] : memref<10240x128xf32, #tpu.memory_space<vmem_shared>> -> memref<10240x128xf32, #tpu.memory_space<vmem_shared>>
        tpu.enqueue_indirect_dma source(%arg9 : memref<80x128xf32, #tpu.memory_space<vmem>>) target(%dma_start3A_78 : memref<10240x128xf32, #tpu.memory_space<vmem_shared>>) offsets(%dma_start3A_75 : memref<80xi32, #tpu.memory_space<vmem>>) semaphore(%run_scoped3A_72 : memref<!tpu.dma_semaphore, #tpu.memory_space<semaphore_mem>>) {add = true}
        %dma_wait3A_79 = arith.constant 0 : i32
        %dma_wait3A_80 = tpu.memref_slice %arg6[%add3A_36, %dma_wait3A_79] : memref<125x80xi32, #tpu.memory_space<vmem>> -> memref<1x80xi32, #tpu.memory_space<vmem>>
        %dma_wait3A_81 = tpu.memref_squeeze %dma_wait3A_80 : memref<1x80xi32, #tpu.memory_space<vmem>> -> memref<80xi32, #tpu.memory_space<vmem>>
        %dma_wait3A_82 = arith.constant 0 : i32
        %dma_wait3A_83 = arith.constant 0 : i32
        %dma_wait3A_84 = tpu.memref_slice %arg11[%dma_wait3A_82, %dma_wait3A_83] : memref<10240x128xf32, #tpu.memory_space<vmem_shared>> -> memref<10240x128xf32, #tpu.memory_space<vmem_shared>>
        tpu.wait_indirect_dma semaphore(%run_scoped3A_72 : memref<!tpu.dma_semaphore, #tpu.memory_space<semaphore_mem>>) src(%arg9 : memref<80x128xf32, #tpu.memory_space<vmem>>) dst(%dma_wait3A_84 : memref<10240x128xf32, #tpu.memory_space<vmem_shared>>)
        tpu.yield
      }) : () -> ()
      %dma_wait3A_48 = tpu.memref_slice %arg3[%mul3A_4] : memref<320000xi32, #tpu.memory_space<hbm>> -> memref<80xi32, #tpu.memory_space<hbm>>
      %dma_wait3A_49 = tpu.memref_slice %arg3[%mul3A_4] : memref<320000xi32, #tpu.memory_space<hbm>> -> memref<80xi32, #tpu.memory_space<hbm>>
      tpu.wait_dma2 semaphore(%arg14 : memref<!tpu.dma_semaphore, #tpu.memory_space<semaphore_mem>>) src(%dma_wait3A_49 : memref<80xi32, #tpu.memory_space<hbm>>) dst(%arg7 : memref<80xi32, #tpu.memory_space<vmem>>)
      %dma_start3A_50 = arith.constant 0 : i32
      %dma_start3A_51 = arith.constant 0 : i32
      %dma_start3A_52 = tpu.memref_slice %arg2[%dma_start3A_50, %dma_start3A_51] : memref<10240x128xf32, #tpu.memory_space<hbm>> -> memref<10240x128xf32, #tpu.memory_space<hbm>>
      tpu.enqueue_indirect_dma source(%dma_start3A_52 : memref<10240x128xf32, #tpu.memory_space<hbm>>) target(%arg9 : memref<80x128xf32, #tpu.memory_space<vmem>>) offsets(%arg7 : memref<80xi32, #tpu.memory_space<vmem>>) semaphore(%arg12 : memref<!tpu.dma_semaphore, #tpu.memory_space<semaphore_mem>>)
      %dma_wait3A_53 = arith.constant 0 : i32
      %dma_wait3A_54 = arith.constant 0 : i32
      %dma_wait3A_55 = tpu.memref_slice %arg2[%dma_wait3A_53, %dma_wait3A_54] : memref<10240x128xf32, #tpu.memory_space<hbm>> -> memref<10240x128xf32, #tpu.memory_space<hbm>>
      tpu.wait_indirect_dma semaphore(%arg13 : memref<!tpu.dma_semaphore, #tpu.memory_space<semaphore_mem>>) src(%dma_wait3A_55 : memref<10240x128xf32, #tpu.memory_space<hbm>>) dst(%arg10 : memref<80x128xf32, #tpu.memory_space<vmem>>)
      %add3A_56 = arith.constant 3 : i32
      %add3A_57 = arith.addi %add3A_36, %add3A_56 : i32
      %min3A_58 = arith.constant 124 : i32
      %min3A_59 = arith.minsi %add3A_57, %min3A_58 : i32
      %mul3A_60 = arith.constant 80 : i32
      %mul3A_61 = arith.muli %min3A_59, %mul3A_60 : i32
      %add3A_62 = arith.addi %mul3A_4, %mul3A_61 : i32
      %dma_start3A_63 = tpu.memref_slice %arg3[%add3A_62] : memref<320000xi32, #tpu.memory_space<hbm>> -> memref<80xi32, #tpu.memory_space<hbm>>
      %dma_start3A_64 = tpu.memref_slice %arg3[%add3A_62] : memref<320000xi32, #tpu.memory_space<hbm>> -> memref<80xi32, #tpu.memory_space<hbm>>
      tpu.enqueue_dma source(%dma_start3A_64 : memref<80xi32, #tpu.memory_space<hbm>>) target(%arg8 : memref<80xi32, #tpu.memory_space<vmem>>) target_semaphore(%arg15 : memref<!tpu.dma_semaphore, #tpu.memory_space<semaphore_mem>>)
      %add3A_65 = arith.constant 1 : i32
      %add3A_66 = arith.addi %add3A_36, %add3A_65 : i32
      "tpu.region"() ({
        %run_scoped3A_72 = tpu.sem_alloc : memref<!tpu.dma_semaphore, #tpu.memory_space<semaphore_mem>>
        %dma_start3A_73 = arith.constant 0 : i32
        %dma_start3A_74 = tpu.memref_slice %arg6[%add3A_66, %dma_start3A_73] : memref<125x80xi32, #tpu.memory_space<vmem>> -> memref<1x80xi32, #tpu.memory_space<vmem>>
        %dma_start3A_75 = tpu.memref_squeeze %dma_start3A_74 : memref<1x80xi32, #tpu.memory_space<vmem>> -> memref<80xi32, #tpu.memory_space<vmem>>
        %dma_start3A_76 = arith.constant 0 : i32
        %dma_start3A_77 = arith.constant 0 : i32
        %dma_start3A_78 = tpu.memref_slice %arg11[%dma_start3A_76, %dma_start3A_77] : memref<10240x128xf32, #tpu.memory_space<vmem_shared>> -> memref<10240x128xf32, #tpu.memory_space<vmem_shared>>
        tpu.enqueue_indirect_dma source(%arg10 : memref<80x128xf32, #tpu.memory_space<vmem>>) target(%dma_start3A_78 : memref<10240x128xf32, #tpu.memory_space<vmem_shared>>) offsets(%dma_start3A_75 : memref<80xi32, #tpu.memory_space<vmem>>) semaphore(%run_scoped3A_72 : memref<!tpu.dma_semaphore, #tpu.memory_space<semaphore_mem>>) {add = true}
        %dma_wait3A_79 = arith.constant 0 : i32
        %dma_wait3A_80 = tpu.memref_slice %arg6[%add3A_66, %dma_wait3A_79] : memref<125x80xi32, #tpu.memory_space<vmem>> -> memref<1x80xi32, #tpu.memory_space<vmem>>
        %dma_wait3A_81 = tpu.memref_squeeze %dma_wait3A_80 : memref<1x80xi32, #tpu.memory_space<vmem>> -> memref<80xi32, #tpu.memory_space<vmem>>
        %dma_wait3A_82 = arith.constant 0 : i32
        %dma_wait3A_83 = arith.constant 0 : i32
        %dma_wait3A_84 = tpu.memref_slice %arg11[%dma_wait3A_82, %dma_wait3A_83] : memref<10240x128xf32, #tpu.memory_space<vmem_shared>> -> memref<10240x128xf32, #tpu.memory_space<vmem_shared>>
        tpu.wait_indirect_dma semaphore(%run_scoped3A_72 : memref<!tpu.dma_semaphore, #tpu.memory_space<semaphore_mem>>) src(%arg10 : memref<80x128xf32, #tpu.memory_space<vmem>>) dst(%dma_wait3A_84 : memref<10240x128xf32, #tpu.memory_space<vmem_shared>>)
        tpu.yield
      }) : () -> ()
      %dma_wait3A_67 = tpu.memref_slice %arg3[%mul3A_4] : memref<320000xi32, #tpu.memory_space<hbm>> -> memref<80xi32, #tpu.memory_space<hbm>>
      %dma_wait3A_68 = tpu.memref_slice %arg3[%mul3A_4] : memref<320000xi32, #tpu.memory_space<hbm>> -> memref<80xi32, #tpu.memory_space<hbm>>
      tpu.wait_dma2 semaphore(%arg15 : memref<!tpu.dma_semaphore, #tpu.memory_space<semaphore_mem>>) src(%dma_wait3A_68 : memref<80xi32, #tpu.memory_space<hbm>>) dst(%arg8 : memref<80xi32, #tpu.memory_space<vmem>>)
      %dma_start3A_69 = arith.constant 0 : i32
      %dma_start3A_70 = arith.constant 0 : i32
      %dma_start3A_71 = tpu.memref_slice %arg2[%dma_start3A_69, %dma_start3A_70] : memref<10240x128xf32, #tpu.memory_space<hbm>> -> memref<10240x128xf32, #tpu.memory_space<hbm>>
      tpu.enqueue_indirect_dma source(%dma_start3A_71 : memref<10240x128xf32, #tpu.memory_space<hbm>>) target(%arg10 : memref<80x128xf32, #tpu.memory_space<vmem>>) offsets(%arg8 : memref<80xi32, #tpu.memory_space<vmem>>) semaphore(%arg13 : memref<!tpu.dma_semaphore, #tpu.memory_space<semaphore_mem>>)
    }
    %scan3A_25 = arith.constant 62 : i32
    %dma_wait3A = arith.constant 0 : i32
    %dma_wait3A_26 = arith.constant 0 : i32
    %dma_wait3A_27 = tpu.memref_slice %arg2[%dma_wait3A, %dma_wait3A_26] : memref<10240x128xf32, #tpu.memory_space<hbm>> -> memref<10240x128xf32, #tpu.memory_space<hbm>>
    tpu.wait_indirect_dma semaphore(%arg12 : memref<!tpu.dma_semaphore, #tpu.memory_space<semaphore_mem>>) src(%dma_wait3A_27 : memref<10240x128xf32, #tpu.memory_space<hbm>>) dst(%arg9 : memref<80x128xf32, #tpu.memory_space<vmem>>)
    %run_scoped3A = arith.constant 124 : i32
    "tpu.region"() ({
      %run_scoped3A_32 = tpu.sem_alloc : memref<!tpu.dma_semaphore, #tpu.memory_space<semaphore_mem>>
      %dma_start3A_33 = arith.constant 0 : i32
      %dma_start3A_34 = tpu.memref_slice %arg6[%run_scoped3A, %dma_start3A_33] : memref<125x80xi32, #tpu.memory_space<vmem>> -> memref<1x80xi32, #tpu.memory_space<vmem>>
      %dma_start3A_35 = tpu.memref_squeeze %dma_start3A_34 : memref<1x80xi32, #tpu.memory_space<vmem>> -> memref<80xi32, #tpu.memory_space<vmem>>
      %dma_start3A_36 = arith.constant 0 : i32
      %dma_start3A_37 = arith.constant 0 : i32
      %dma_start3A_38 = tpu.memref_slice %arg11[%dma_start3A_36, %dma_start3A_37] : memref<10240x128xf32, #tpu.memory_space<vmem_shared>> -> memref<10240x128xf32, #tpu.memory_space<vmem_shared>>
      tpu.enqueue_indirect_dma source(%arg9 : memref<80x128xf32, #tpu.memory_space<vmem>>) target(%dma_start3A_38 : memref<10240x128xf32, #tpu.memory_space<vmem_shared>>) offsets(%dma_start3A_35 : memref<80xi32, #tpu.memory_space<vmem>>) semaphore(%run_scoped3A_32 : memref<!tpu.dma_semaphore, #tpu.memory_space<semaphore_mem>>) {add = true}
      %dma_wait3A_39 = arith.constant 0 : i32
      %dma_wait3A_40 = tpu.memref_slice %arg6[%run_scoped3A, %dma_wait3A_39] : memref<125x80xi32, #tpu.memory_space<vmem>> -> memref<1x80xi32, #tpu.memory_space<vmem>>
      %dma_wait3A_41 = tpu.memref_squeeze %dma_wait3A_40 : memref<1x80xi32, #tpu.memory_space<vmem>> -> memref<80xi32, #tpu.memory_space<vmem>>
      %dma_wait3A_42 = arith.constant 0 : i32
      %dma_wait3A_43 = arith.constant 0 : i32
      %dma_wait3A_44 = tpu.memref_slice %arg11[%dma_wait3A_42, %dma_wait3A_43] : memref<10240x128xf32, #tpu.memory_space<vmem_shared>> -> memref<10240x128xf32, #tpu.memory_space<vmem_shared>>
      tpu.wait_indirect_dma semaphore(%run_scoped3A_32 : memref<!tpu.dma_semaphore, #tpu.memory_space<semaphore_mem>>) src(%arg9 : memref<80x128xf32, #tpu.memory_space<vmem>>) dst(%dma_wait3A_44 : memref<10240x128xf32, #tpu.memory_space<vmem_shared>>)
      tpu.yield
    }) : () -> ()
    %dma_wait3A_28 = arith.constant 0 : i32
    %dma_wait3A_29 = arith.constant 0 : i32
    %dma_wait3A_30 = tpu.memref_slice %arg2[%dma_wait3A_28, %dma_wait3A_29] : memref<10240x128xf32, #tpu.memory_space<hbm>> -> memref<10240x128xf32, #tpu.memory_space<hbm>>
    tpu.wait_indirect_dma semaphore(%arg13 : memref<!tpu.dma_semaphore, #tpu.memory_space<semaphore_mem>>) src(%dma_wait3A_30 : memref<10240x128xf32, #tpu.memory_space<hbm>>) dst(%arg10 : memref<80x128xf32, #tpu.memory_space<vmem>>)
    %barrier3A_31 = arith.constant 0 : index
    tpu.barrier barrier_id(%barrier3A_31)
    "tpu.region"() ({
      %run_scoped3A_32 = tpu.sem_alloc : memref<!tpu.dma_semaphore, #tpu.memory_space<semaphore_mem>>
      %dma_start3A_33 = arith.constant 0 : i32
      %dma_start3A_34 = tpu.memref_slice %arg5[%arg0, %mul3A_2, %dma_start3A_33] : memref<2x10240x128xf32, #tpu.memory_space<hbm>> -> memref<1x640x128xf32, #tpu.memory_space<hbm>>
      %dma_start3A_35 = tpu.memref_squeeze %dma_start3A_34 : memref<1x640x128xf32, #tpu.memory_space<hbm>> -> memref<640x128xf32, #tpu.memory_space<hbm>>
      %dma_start3A_36 = arith.constant 0 : i32
      %dma_start3A_37 = tpu.memref_slice %arg11[%mul3A_2, %dma_start3A_36] : memref<10240x128xf32, #tpu.memory_space<vmem_shared>> -> memref<640x128xf32, #tpu.memory_space<vmem_shared>>
      tpu.enqueue_dma source(%dma_start3A_37 : memref<640x128xf32, #tpu.memory_space<vmem_shared>>) target(%dma_start3A_35 : memref<640x128xf32, #tpu.memory_space<hbm>>) target_semaphore(%run_scoped3A_32 : memref<!tpu.dma_semaphore, #tpu.memory_space<semaphore_mem>>)
      %dma_wait3A_38 = arith.constant 0 : i32
      %dma_wait3A_39 = tpu.memref_slice %arg5[%arg0, %mul3A_2, %dma_wait3A_38] : memref<2x10240x128xf32, #tpu.memory_space<hbm>> -> memref<1x640x128xf32, #tpu.memory_space<hbm>>
      %dma_wait3A_40 = tpu.memref_squeeze %dma_wait3A_39 : memref<1x640x128xf32, #tpu.memory_space<hbm>> -> memref<640x128xf32, #tpu.memory_space<hbm>>
      %dma_wait3A_41 = arith.constant 0 : i32
      %dma_wait3A_42 = tpu.memref_slice %arg11[%mul3A_2, %dma_wait3A_41] : memref<10240x128xf32, #tpu.memory_space<vmem_shared>> -> memref<640x128xf32, #tpu.memory_space<vmem_shared>>
      tpu.wait_dma2 semaphore(%run_scoped3A_32 : memref<!tpu.dma_semaphore, #tpu.memory_space<semaphore_mem>>) src(%dma_wait3A_42 : memref<640x128xf32, #tpu.memory_space<vmem_shared>>) dst(%dma_wait3A_40 : memref<640x128xf32, #tpu.memory_space<hbm>>)
      tpu.yield
    }) : () -> ()
    return
  }
}

#map = affine_map<(d0, d1) -> (0)>
#map1 = affine_map<(d0, d1) -> (0, 0, 0)>
module attributes {stable_mosaic.version = 14 : i64} {
  func.func @k(%arg0: i32, %arg1: i32, %arg2: memref<320000xi32, #tpu.memory_space<hbm>>, %arg3: memref<2x16x10240xf32, #tpu.memory_space<hbm>>, %arg4: memref<10000xi32, #tpu.memory_space<vmem>>, %arg5: memref<10240xf32, #tpu.memory_space<vmem>>) attributes {dimension_semantics = [#tpu.dimension_semantics<core_parallel>, #tpu.dimension_semantics<subcore_parallel>], iteration_bounds = array<i64: 2, 16>, scalar_prefetch = 0 : i64, scratch_operands = 2 : i64, tpu.core_type = #tpu.core_type<sc_vector_subcore>, window_params = [{transform_indices = #map}, {transform_indices = #map1}]} {
    %mul3A = arith.constant 16 : i32
    %mul3A_0 = arith.muli %arg0, %mul3A : i32
    %add3A = arith.addi %mul3A_0, %arg1 : i32
    %mul3A_1 = arith.constant 10000 : i32
    %mul3A_2 = arith.muli %add3A, %mul3A_1 : i32
    "tpu.region"() ({
      %run_scoped3A = tpu.sem_alloc : memref<!tpu.dma_semaphore, #tpu.memory_space<semaphore_mem>>
      %dma_start3A = tpu.memref_slice %arg2[%mul3A_2] : memref<320000xi32, #tpu.memory_space<hbm>> -> memref<10000xi32, #tpu.memory_space<hbm>>
      %dma_start3A_13 = tpu.memref_slice %arg2[%mul3A_2] : memref<320000xi32, #tpu.memory_space<hbm>> -> memref<10000xi32, #tpu.memory_space<hbm>>
      tpu.enqueue_dma source(%dma_start3A_13 : memref<10000xi32, #tpu.memory_space<hbm>>) target(%arg4 : memref<10000xi32, #tpu.memory_space<vmem>>) target_semaphore(%run_scoped3A : memref<!tpu.dma_semaphore, #tpu.memory_space<semaphore_mem>>)
      %dma_wait3A = tpu.memref_slice %arg2[%mul3A_2] : memref<320000xi32, #tpu.memory_space<hbm>> -> memref<10000xi32, #tpu.memory_space<hbm>>
      %dma_wait3A_14 = tpu.memref_slice %arg2[%mul3A_2] : memref<320000xi32, #tpu.memory_space<hbm>> -> memref<10000xi32, #tpu.memory_space<hbm>>
      tpu.wait_dma2 semaphore(%run_scoped3A : memref<!tpu.dma_semaphore, #tpu.memory_space<semaphore_mem>>) src(%dma_wait3A_14 : memref<10000xi32, #tpu.memory_space<hbm>>) dst(%arg4 : memref<10000xi32, #tpu.memory_space<vmem>>)
      tpu.yield
    }) : () -> ()
    %scan3A = arith.constant 0 : i32
    %scan3A_3 = arith.constant 640 : i32
    %scan3A_4 = arith.addi %scan3A, %scan3A_3 : i32
    %scan3A_5 = arith.constant 1 : i32
    scf.for %scan3A_13 = %scan3A to %scan3A_4 step %scan3A_5  : i32 {
      %mul3A_14 = arith.constant 16 : i32
      %mul3A_15 = arith.muli %scan3A_13, %mul3A_14 : i32
      %add3A_16 = arith.constant 0 : i32
      %add3A_17 = arith.addi %add3A_16, %mul3A_15 : i32
      %broadcast_in_dim3A_18 = arith.constant 0.000000e+00 : f32
      %broadcast_in_dim3A_19 = vector.broadcast %broadcast_in_dim3A_18 : f32 to vector<16xf32>
      %swap3A = arith.index_cast %add3A_17 : i32 to index
      %swap3A_20 = tpu.vector_load %arg5[%swap3A] {strides = array<i32>} : memref<10240xf32, #tpu.memory_space<vmem>>, vector<16xf32>,
      tpu.vector_store %arg5[%swap3A], %broadcast_in_dim3A_19 {strides = array<i32>} : memref<10240xf32, #tpu.memory_space<vmem>>, vector<16xf32>,
    }
    %scan3A_6 = arith.constant 640 : i32
    %broadcast_in_dim3A = arith.constant 1.000000e+00 : f32
    %broadcast_in_dim3A_7 = vector.broadcast %broadcast_in_dim3A : f32 to vector<16xf32>
    %scan3A_8 = arith.constant 0 : i32
    %scan3A_9 = arith.constant 625 : i32
    %scan3A_10 = arith.addi %scan3A_8, %scan3A_9 : i32
    %scan3A_11 = arith.constant 1 : i32
    scf.for %scan3A_13 = %scan3A_8 to %scan3A_10 step %scan3A_11  : i32 {
      %mul3A_14 = arith.constant 16 : i32
      %mul3A_15 = arith.muli %scan3A_13, %mul3A_14 : i32
      %add3A_16 = arith.constant 0 : i32
      %add3A_17 = arith.addi %add3A_16, %mul3A_15 : i32
      %get3A = arith.index_cast %add3A_17 : i32 to index
      %get3A_18 = tpu.vector_load %arg4[%get3A] {strides = array<i32>} : memref<10000xi32, #tpu.memory_space<vmem>>, vector<16xi32>,
      tpu.vector_store_idx %arg5[%get3A_18], %broadcast_in_dim3A_7 {add = true} : memref<10240xf32, #tpu.memory_space<vmem>>[vector<16xi32>], vector<16xf32>,
    }
    %scan3A_12 = arith.constant 625 : i32
    "tpu.region"() ({
      %run_scoped3A = tpu.sem_alloc : memref<!tpu.dma_semaphore, #tpu.memory_space<semaphore_mem>>
      %dma_start3A = arith.constant 0 : i32
      %dma_start3A_13 = tpu.memref_slice %arg3[%arg0, %arg1, %dma_start3A] : memref<2x16x10240xf32, #tpu.memory_space<hbm>> -> memref<1x1x10240xf32, #tpu.memory_space<hbm>>
      %dma_start3A_14 = tpu.memref_squeeze %dma_start3A_13 : memref<1x1x10240xf32, #tpu.memory_space<hbm>> -> memref<10240xf32, #tpu.memory_space<hbm>>
      %dma_start3A_15 = arith.constant 0 : i32
      %dma_start3A_16 = tpu.memref_slice %arg3[%arg0, %arg1, %dma_start3A_15] : memref<2x16x10240xf32, #tpu.memory_space<hbm>> -> memref<1x1x10240xf32, #tpu.memory_space<hbm>>
      %dma_start3A_17 = tpu.memref_squeeze %dma_start3A_16 : memref<1x1x10240xf32, #tpu.memory_space<hbm>> -> memref<10240xf32, #tpu.memory_space<hbm>>
      tpu.enqueue_dma source(%arg5 : memref<10240xf32, #tpu.memory_space<vmem>>) target(%dma_start3A_17 : memref<10240xf32, #tpu.memory_space<hbm>>) target_semaphore(%run_scoped3A : memref<!tpu.dma_semaphore, #tpu.memory_space<semaphore_mem>>)
      %dma_wait3A = arith.constant 0 : i32
      %dma_wait3A_18 = tpu.memref_slice %arg3[%arg0, %arg1, %dma_wait3A] : memref<2x16x10240xf32, #tpu.memory_space<hbm>> -> memref<1x1x10240xf32, #tpu.memory_space<hbm>>
      %dma_wait3A_19 = tpu.memref_squeeze %dma_wait3A_18 : memref<1x1x10240xf32, #tpu.memory_space<hbm>> -> memref<10240xf32, #tpu.memory_space<hbm>>
      %dma_wait3A_20 = arith.constant 0 : i32
      %dma_wait3A_21 = tpu.memref_slice %arg3[%arg0, %arg1, %dma_wait3A_20] : memref<2x16x10240xf32, #tpu.memory_space<hbm>> -> memref<1x1x10240xf32, #tpu.memory_space<hbm>>
      %dma_wait3A_22 = tpu.memref_squeeze %dma_wait3A_21 : memref<1x1x10240xf32, #tpu.memory_space<hbm>> -> memref<10240xf32, #tpu.memory_space<hbm>>
      tpu.wait_dma2 semaphore(%run_scoped3A : memref<!tpu.dma_semaphore, #tpu.memory_space<semaphore_mem>>) src(%arg5 : memref<10240xf32, #tpu.memory_space<vmem>>) dst(%dma_wait3A_22 : memref<10240xf32, #tpu.memory_space<hbm>>)
      tpu.yield
    }) : () -> ()
    return
  }
}

module attributes {stable_mosaic.version = 14 : i64} {
  func.func @body(%arg0: i32, %arg1: memref<1024x128xf32, #tpu.memory_space<vmem>>, %arg2: memref<128x128xf32, #tpu.memory_space<vmem>>, %arg3: memref<2x16x1024xf32, #tpu.memory_space<vmem>>, %arg4: memref<1024x128xf32, #tpu.memory_space<vmem>>, %arg5: memref<1024x1xf32, #tpu.memory_space<vmem>>) attributes {dimension_semantics = [#tpu.dimension_semantics<arbitrary>], iteration_bounds = array<i64: 10>, scalar_prefetch = 0 : i64, scratch_operands = 0 : i64, tpu.core_type = #tpu.core_type<tc>, window_params = [{transform_indices = @transform_0, window_bounds = array<i64: 1024, 128>}, {pipeline_mode = #tpu.pipeline_mode<synchronous>, transform_indices = @transform_1, window_bounds = array<i64: 128, 128>}, {transform_indices = @transform_2, window_bounds = array<i64: 2, 16, 1024>}, {transform_indices = @transform_3, window_bounds = array<i64: 1024, 128>}, {transform_indices = @transform_4, window_bounds = array<i64: 1024, 1>}]} {
    %get3A = arith.constant 0 : index
    %get3A_0 = arith.constant 0 : index
    %get3A_1 = vector.load %arg1[%get3A, %get3A_0] : memref<1024x128xf32, #tpu.memory_space<vmem>>, vector<1024x128xf32>
    %get3A_2 = arith.constant 0 : index
    %get3A_3 = arith.constant 0 : index
    %get3A_4 = vector.load %arg2[%get3A_2, %get3A_3] : memref<128x128xf32, #tpu.memory_space<vmem>>, vector<128x128xf32>
    %dot_general3A = arith.constant dense<0.000000e+00> : vector<1024x128xf32>
    %dot_general3A_5 = tpu.matmul %get3A_1, %get3A_4, %dot_general3A {dimension_numbers = #tpu.dot_dimension_numbers<[1], [1], [0], [0], [0, 0, 1, 0], [], []>, precision = #tpu.contract_precision<fp32>, transpose_lhs_hint = false} : vector<1024x128xf32>, vector<128x128xf32>, vector<1024x128xf32> -> vector<1024x128xf32>
    %get3A_6 = arith.constant 0 : index
    %get3A_7 = arith.constant 0 : index
    %get3A_8 = arith.constant 0 : index
    %get3A_9 = vector.load %arg3[%get3A_6, %get3A_7, %get3A_8] : memref<2x16x1024xf32, #tpu.memory_space<vmem>>, vector<1x16x1024xf32>
    %get3A_10 = vector.shape_cast %get3A_9 : vector<1x16x1024xf32> to vector<16x1024xf32>
    %get3A_11 = arith.constant 1 : index
    %get3A_12 = arith.constant 0 : index
    %get3A_13 = arith.constant 0 : index
    %get3A_14 = vector.load %arg3[%get3A_11, %get3A_12, %get3A_13] : memref<2x16x1024xf32, #tpu.memory_space<vmem>>, vector<1x16x1024xf32>
    %get3A_15 = vector.shape_cast %get3A_14 : vector<1x16x1024xf32> to vector<16x1024xf32>
    %add3A = arith.addf %get3A_10, %get3A_15 : vector<16x1024xf32>
    %reduce_sum3A = arith.constant dense<0.000000e+00> : vector<1024xf32>
    %reduce_sum3A_16 = vector.multi_reduction <add>, %add3A, %reduce_sum3A [0] : vector<16x1024xf32> to vector<1024xf32>
    %gt3A = arith.constant 0.000000e+00 : f32
    %gt3A_17 = vector.broadcast %gt3A : f32 to vector<1024xf32>
    %gt3A_18 = arith.cmpf ogt, %reduce_sum3A_16, %gt3A_17 : vector<1024xf32>
    %max3A = arith.constant 9.99999996E-13 : f32
    %max3A_19 = vector.broadcast %max3A : f32 to vector<1024xf32>
    %max3A_20 = arith.maximumf %reduce_sum3A_16, %max3A_19 : vector<1024xf32>
    %rsqrt3A = math.rsqrt %max3A_20 : vector<1024xf32>
    %jit3A = arith.constant 0.000000e+00 : f32
    %broadcast_in_dim3A = vector.broadcast %jit3A : f32 to vector<1024xf32>
    %select_n3A = arith.select %gt3A_18, %rsqrt3A, %broadcast_in_dim3A : vector<1024xi1>, vector<1024xf32>
    %broadcast_in_dim3A_21 = vector.shape_cast %select_n3A : vector<1024xf32> to vector<1024x1xf32>
    %mul3A = vector.broadcast %broadcast_in_dim3A_21 : vector<1024x1xf32> to vector<1024x128xf32>
    %mul3A_22 = arith.mulf %dot_general3A_5, %mul3A : vector<1024x128xf32>
    %swap3A = arith.constant 0 : index
    %swap3A_23 = arith.constant 0 : index
    %swap3A_24 = vector.load %arg4[%swap3A, %swap3A_23] : memref<1024x128xf32, #tpu.memory_space<vmem>>, vector<1024x128xf32>
    tpu.vector_store %arg4[%swap3A, %swap3A_23], %mul3A_22 {strides = array<i32>} : memref<1024x128xf32, #tpu.memory_space<vmem>>, vector<1024x128xf32>,
    %broadcast_in_dim3A_25 = vector.shape_cast %select_n3A : vector<1024xf32> to vector<1024x1xf32>
    %swap3A_26 = arith.constant 0 : index
    %swap3A_27 = arith.constant 0 : index
    %swap3A_28 = vector.load %arg5[%swap3A_26, %swap3A_27] : memref<1024x1xf32, #tpu.memory_space<vmem>>, vector<1024x1xf32>
    tpu.vector_store %arg5[%swap3A_26, %swap3A_27], %broadcast_in_dim3A_25 {strides = array<i32>} : memref<1024x1xf32, #tpu.memory_space<vmem>>, vector<1024x1xf32>,
    return
  }
  func.func @transform_0(%arg0: i32) -> (i32, i32) {
    %c0_i32 = arith.constant 0 : i32
    %c0_i32_0 = arith.constant 0 : i32
    return %arg0, %c0_i32 : i32, i32
  }
  func.func @transform_1(%arg0: i32) -> (i32, i32) {
    %c0_i32 = arith.constant 0 : i32
    %c0_i32_0 = arith.constant 0 : i32
    %c0_i32_1 = arith.constant 0 : i32
    return %c0_i32, %c0_i32_0 : i32, i32
  }
  func.func @transform_2(%arg0: i32) -> (i32, i32, i32) {
    %c0_i32 = arith.constant 0 : i32
    %c0_i32_0 = arith.constant 0 : i32
    %c0_i32_1 = arith.constant 0 : i32
    return %c0_i32, %c0_i32_0, %arg0 : i32, i32, i32
  }
  func.func @transform_3(%arg0: i32) -> (i32, i32) {
    %c0_i32 = arith.constant 0 : i32
    %c0_i32_0 = arith.constant 0 : i32
    return %arg0, %c0_i32 : i32, i32
  }
  func.func @transform_4(%arg0: i32) -> (i32, i32) {
    %c0_i32 = arith.constant 0 : i32
    %c0_i32_0 = arith.constant 0 : i32
    return %arg0, %c0_i32 : i32, i32
  }
}

module attributes {stable_mosaic.version = 14 : i64} {
  func.func @body(%arg0: i32, %arg1: memref<2x1000x128xf32, #tpu.memory_space<vmem>>, %arg2: memref<1000x1xf32, #tpu.memory_space<vmem>>, %arg3: memref<1000x128xf32, #tpu.memory_space<vmem>>) attributes {dimension_semantics = [#tpu.dimension_semantics<arbitrary>], iteration_bounds = array<i64: 10>, scalar_prefetch = 0 : i64, scratch_operands = 0 : i64, tpu.core_type = #tpu.core_type<tc>, window_params = [{transform_indices = @transform_0, window_bounds = array<i64: 2, 1000, 128>}, {transform_indices = @transform_1, window_bounds = array<i64: 1000, 1>}, {transform_indices = @transform_2, window_bounds = array<i64: 1000, 128>}]} {
    %get3A = arith.constant 0 : index
    %get3A_0 = arith.constant 0 : index
    %get3A_1 = arith.constant 0 : index
    %get3A_2 = vector.load %arg1[%get3A, %get3A_0, %get3A_1] : memref<2x1000x128xf32, #tpu.memory_space<vmem>>, vector<1x1000x128xf32>
    %get3A_3 = vector.shape_cast %get3A_2 : vector<1x1000x128xf32> to vector<1000x128xf32>
    %get3A_4 = arith.constant 1 : index
    %get3A_5 = arith.constant 0 : index
    %get3A_6 = arith.constant 0 : index
    %get3A_7 = vector.load %arg1[%get3A_4, %get3A_5, %get3A_6] : memref<2x1000x128xf32, #tpu.memory_space<vmem>>, vector<1x1000x128xf32>
    %get3A_8 = vector.shape_cast %get3A_7 : vector<1x1000x128xf32> to vector<1000x128xf32>
    %add3A = arith.addf %get3A_3, %get3A_8 : vector<1000x128xf32>
    %get3A_9 = arith.constant 0 : index
    %get3A_10 = arith.constant 0 : index
    %get3A_11 = vector.load %arg2[%get3A_9, %get3A_10] : memref<1000x1xf32, #tpu.memory_space<vmem>>, vector<1000x1xf32>
    %mul3A = vector.broadcast %get3A_11 : vector<1000x1xf32> to vector<1000x128xf32>
    %mul3A_12 = arith.mulf %add3A, %mul3A : vector<1000x128xf32>
    %max3A = arith.constant 0.000000e+00 : f32
    %max3A_13 = vector.broadcast %max3A : f32 to vector<1000x128xf32>
    %max3A_14 = arith.maximumf %mul3A_12, %max3A_13 : vector<1000x128xf32>
    %add3A_15 = arith.addf %max3A_14, %mul3A_12 : vector<1000x128xf32>
    %swap3A = arith.constant 0 : index
    %swap3A_16 = arith.constant 0 : index
    %swap3A_17 = vector.load %arg3[%swap3A, %swap3A_16] : memref<1000x128xf32, #tpu.memory_space<vmem>>, vector<1000x128xf32>
    tpu.vector_store %arg3[%swap3A, %swap3A_16], %add3A_15 {strides = array<i32>} : memref<1000x128xf32, #tpu.memory_space<vmem>>, vector<1000x128xf32>,
    return
  }
  func.func @transform_0(%arg0: i32) -> (i32, i32, i32) {
    %c0_i32 = arith.constant 0 : i32
    %c0_i32_0 = arith.constant 0 : i32
    %c0_i32_1 = arith.constant 0 : i32
    return %c0_i32, %arg0, %c0_i32_0 : i32, i32, i32
  }
  func.func @transform_1(%arg0: i32) -> (i32, i32) {
    %c0_i32 = arith.constant 0 : i32
    %c0_i32_0 = arith.constant 0 : i32
    return %arg0, %c0_i32 : i32, i32
  }
  func.func @transform_2(%arg0: i32) -> (i32, i32) {
    %c0_i32 = arith.constant 0 : i32
    %c0_i32_0 = arith.constant 0 : i32
    return %arg0, %c0_i32 : i32, i32
  }
}

</mosaic_0001>

<sc_bundles>
// kernel: kernel.6.cloned.1.call-start
scs
__scs_entry_jumppad:
0x0: {  	(pc) =	sbr.rel $0x88, $3  }
0x1: {  	(tag) =	ssettag $0x0;
	lr =	simm.s32 $0x1  }
0x2: {  	[smem:$0x3F9E] =	sst lr;
	_ =	strace $0xD0000000  }
0x3: {  	_ = 	snop  }
0x4: {  	_ = 	snop  }
0x5: {  	_ = 	snop  }
0x6: {  	_ = 	snop  }
0x7: {  	_ = 	snop  }
__scs_overlays_trampoline_lowered:
0x8: {  	[smem:$0x3FAD] =	sst s0  }
0x9: {  	[smem:$0x3FAE] =	sst s1  }
0xa: {  	[smem:$0x3FAF] =	sst s2  }
0xb: {  	[smem:$0x3FB0] =	sst s3  }
0xc: {  	[smem:$0x3FB1] =	sst s4  }
0xd: {  	[smem:$0x3FB2] =	sst s5  }
0xe: {  	[smem:$0x3FB3] =	sst s6  }
0xf: {  	[smem:$0x3FB4] =	sst s7  }
0x10: {  	[smem:$0x3FB5] =	sst s8  }
0x11: {  	[smem:$0x3FB6] =	sst s9;
	s0 =	simm.s32 @!p0 $0x0  }
0x12: {  	s1 =	sld [smem:$0x3F9C];
	s0 =	simm.s32 @p0 $0x1  }
0x13: {  	[smem:$0x3FB7] =	sst s0;
	s0 =	simm.s32 @!p1 $0x0  }
0x14: {  	s2 =	sld [smem:$0x3F9B];
	s0 =	simm.s32 @p1 $0x1  }
0x15: {  	[smem:$0x3FB8] =	sst s0;
	s0 =	simm.s32 @!p2 $0x0  }
0x16: {  	s3 =	sld [smem:$0x3FDB];
	s0 =	simm.s32 @p2 $0x1  }
0x17: {  	s4 =	simm.s32 $0x1BF5;
	[smem:$0x3FBA] =	sst s0  }
0x18: {  	s0 =	sld [smem:$0x3F9D];
	_ =	swait.ge [sflag:s4], $0x0  }
0x19: {  	s7 =	sld [smem:$0x3F9E]  }
0x1a: {  	s8 =	sadd.s32 $0xFFFFE003, lr  }
0x1b: {  	s9 =	sadd.s32 $0xFFFFFEF7, lr;
	s5 =	simm.s32 $0xFFFFFFFF;
	p2 =	slt.u32 s8, $0xFFFFF086  }
0x1c: {  	p1 =	slt.u32 s9, $0xF7A;
	s5 =	simm.s32 @!p2 $0x0  }
0x1d: {  	s5 =	simm.s32 @p1 $0x1;
	p0 =	seq.s32 s7, s2  }
0x1e: {  	s7 =	smul.u32 @!p0 $0xF7A, s2;
	p2 =	seq.s32 @!p0 s5, $0x0  }
0x1f: {  	s9 =	smul.u32 $0xF7A, s1;
	s8 =	simm.s32 @!p0 $0x1BF5;
	p2 =	por !p2, p0  }
0x20: {  	[sflag:s8] =	ssyncset.s32 @!p0 $0xFFFFF086;
	s6 =	sadd.s32 @!p0 s3, s7;
	s7 =	simm.s32 @!p0 $0x108  }
0x21: {  	s3 =	sadd.s32 s3, s9;
	s6 =	sadd.s32 @!p0 $0x88, s6;
	s7 =	simm.s32 @p2 $0x1082  }
0x22: {  	[simem:s7], [sflag:s8] =	dma.local @!p0 [hbm:s6], $0xF7A  }
0x23: {  	s9 =	sor.u32 $0xD0000000, s2;
	s6 =	simm.s32 $0x108;
	_ =	swait.ge @!p0 [sflag:s8], $0x0  }
0x24: {  	s3 =	sadd.s32 $0x88, s3;
	s6 =	simm.s32 @!p1 $0x1082;
	[sflag:s4] =	ssyncset.s32 $0xFFFFF086  }
0x25: {  	[simem:s6], [sflag:s4] =	dma.local [hbm:s3], $0xF7A  }
0x26: {  	[smem:$0x3F9E] =	sst s1;
	(tag) =	ssettag s2;
	_ =	strace s9  }
0x27: {  	s1 =	sld [smem:$0x3FAE]  }
0x28: {  	s2 =	sld [smem:$0x3FAF]  }
0x29: {  	s4 =	sld [smem:$0x3FB1]  }
0x2a: {  	p0 =	seq.s32 s5, $0x0;
	s5 =	sld [smem:$0x3FB2]  }
0x2b: {  	s6 =	sld [smem:$0x3FB3]  }
0x2c: {  	s7 =	sld [smem:$0x3FB4]  }
0x2d: {  	s3 =	simm.s32 $0x108;
	s8 =	sld [smem:$0x3FB5]  }
0x2e: {  	s3 =	simm.s32 @!p0 $0x1082;
	s9 =	sld [smem:$0x3FB6]  }
0x2f: {  	lr =	sadd.s32 s0, s3;
	s0 =	sld [smem:$0x3FAD]  }
0x30: {  	s3 =	sld [smem:$0x3FB0]  }
0x31: {  	[smem:$0x3FB9] =	sst s10  }
0x32: {  	s10 =	sld [smem:$0x3FB7];
	_ =	sdelay $0x3  }
0x33: {  	p0 =	seq.s32 s10, $0x1;
	s10 =	sld [smem:$0x3FB9];
	_ =	sdelay $0x3  }
0x34: {  	[smem:$0x3FB9] =	sst s10  }
0x35: {  	s10 =	sld [smem:$0x3FB8];
	_ =	sdelay $0x3  }
0x36: {  	p1 =	seq.s32 s10, $0x1;
	s10 =	sld [smem:$0x3FB9];
	_ =	sdelay $0x3  }
0x37: {  	[smem:$0x3FB9] =	sst s10  }
0x38: {  	s10 =	sld [smem:$0x3FBA]  }
0x39: {  	_ = 	snop;
	(pc) =	sbr.ind lr, $3  }
0x3a: {  	_ = 	snop  }
0x3b: {  	_ = 	snop  }
0x3c: {  	p2 =	seq.s32 s10, $0x1;
	s10 =	sld [smem:$0x3FB9]  }
0x3d: {  	_ =	shalt  }
0x3e: {  	_ =	shalt  }
0x3f: {  	_ =	shalt  }
0x40: {  	_ =	shalt  }
0x41: {  	_ =	shalt  }
0x42: {  	_ =	shalt  }
0x43: {  	_ =	shalt  }
0x44: {  	_ =	shalt  }
0x45: {  	_ =	shalt  }
0x46: {  	_ =	shalt  }
0x47: {  	_ =	shalt  }
0x48: {  	_ =	shalt  }
0x49: {  	_ =	shalt  }
0x4a: {  	_ =	shalt  }
0x4b: {  	_ =	shalt  }
0x4c: {  	_ =	shalt  }
0x4d: {  	_ =	shalt  }
0x4e: {  	_ =	shalt  }
0x4f: {  	_ =	shalt  }
0x50: {  	_ =	shalt  }
0x51: {  	_ =	shalt  }
0x52: {  	_ =	shalt  }
0x53: {  	_ =	shalt  }
0x54: {  	_ =	shalt  }
0x55: {  	_ =	shalt  }
0x56: {  	_ =	shalt  }
0x57: {  	_ =	shalt  }
0x58: {  	_ =	shalt  }
0x59: {  	_ =	shalt  }
0x5a: {  	_ =	shalt  }
0x5b: {  	_ =	shalt  }
0x5c: {  	_ =	shalt  }
0x5d: {  	_ =	shalt  }
0x5e: {  	_ =	shalt  }
0x5f: {  	_ =	shalt  }
0x60: {  	_ =	shalt  }
0x61: {  	_ =	shalt  }
0x62: {  	_ =	shalt  }
0x63: {  	_ =	shalt  }
0x64: {  	_ =	shalt  }
0x65: {  	_ =	shalt  }
0x66: {  	_ =	shalt  }
0x67: {  	_ =	shalt  }
0x68: {  	_ =	shalt  }
0x69: {  	_ =	shalt  }
0x6a: {  	_ =	shalt  }
0x6b: {  	_ =	shalt  }
0x6c: {  	_ =	shalt  }
0x6d: {  	_ =	shalt  }
0x6e: {  	_ =	shalt  }
0x6f: {  	_ =	shalt  }
0x70: {  	_ =	shalt  }
0x71: {  	_ =	shalt  }
0x72: {  	_ =	shalt  }
0x73: {  	_ =	shalt  }
0x74: {  	_ =	shalt  }
0x75: {  	_ =	shalt  }
0x76: {  	_ =	shalt  }
0x77: {  	_ =	shalt  }
0x78: {  	_ =	shalt  }
0x79: {  	_ =	shalt  }
0x7a: {  	_ =	shalt  }
0x7b: {  	_ =	shalt  }
0x7c: {  	_ =	shalt  }
0x7d: {  	_ =	shalt  }
0x7e: {  	_ =	shalt  }
0x7f: {  	_ =	shalt  }
0x80: {  	_ =	shalt  }
0x81: {  	_ =	shalt  }
0x82: {  	_ =	shalt  }
0x83: {  	_ =	shalt  }
0x84: {  	_ =	shalt  }
0x85: {  	_ =	shalt  }
0x86: {  	_ =	shalt  }
0x87: {  	_ =	shalt  }
.Lfunc_end0:
.L_simem_size_0:
called_computation_lowered:
.L_overlay_start_0:
0x88: {  	s2 =	sld [smem:$0x3FD9]  }
0x89: {  	s3 =	sld [smem:$0x3FFE];
	_ =	sdelay $0x1  }
0x8a: {  	s1 =	srdreg.scid  }
0x8b: {  	s0 =	sand.u32 $0x1, s1  }
0x8c: {  	s16 =	sshll.u32 s0, $0xA;
	s2 =	sadd.s32 s3, s2  }
0x8d: {  	s2 =	sadd.s32 s2, s16  }
0x8e: {  	[smem:$0x3FC5] =	sst s2  }
0x8f: {  	_ = 	snop  }
0x90: {  	(tm) =	ssettm $0x1  }
0x91: {  	s17 =	sld [smem:$0x3FFB];
	_ =	sdelay $0x3  }
0x92: {  	_ =	strace s17  }
0x93: {  	s2 =	sld [smem:$0x3FFC];
	_ =	sdelay $0x3  }
0x94: {  	_ =	strace s2  }
0x95: {  	s2 =	sld [smem:$0x3FFD];
	_ =	sdelay $0x3  }
0x96: {  	_ =	strace s2  }
0x97: {  	_ =	strace $0x8FFFFFFF  }
0x98: {  	s18 =	sld [smem:$0x3FDB];
	_ =	sdelay $0x1  }
0x99: {  	s19 =	simm.s32 $_scs_section_size  }
0x9a: {  	s4 =	simm.s32 $_size__tile_overlayer_lowered;
	s5 =	simm.s32 $_tile_overlayer_lowered  }
0x9b: {  	s22 =	simm.s32 $0x1BFF;
	s21 =	sshll.u32 s5, $0x1;
	s2 =	sadd.s32 s19, s18  }
0x9c: {  	s6 =	simm.s32 $0x0;
	s20 =	sshll.u32 s4, $0x1;
	s4 =	sadd.s32 s21, s2  }
0x9d: {  	[timem:s6], [sflag:s22] =	dma.local [hbm:s4], s20  }
0x9e: {  	_ =	swait.ge [sflag:s22], s20  }
0x9f: {  	s3 =	ssub.s32 $0x0, s20;
	[sflag:s22] =	ssyncset.done $0x0  }
0xa0: {  	[sflag:s22] =	ssyncadd.s32 s3;
	_ =	sdelay $0x1  }
0xa1: {  	s23 =	simm.s32 $0x1B8B  }
0xa2: {  	_ =	swait.ge [sflag:s23], $0x1  }
0xa3: {  	[sflag:s23] =	ssyncset.done $0x0  }
0xa4: {  	s25 =	simm.s32 $0x1B8E;
	s24 =	sld [smem:$0x3FFE];
	[sflag:s23] =	ssyncadd.s32 $0xFFFFFFFF  }
0xa5: {  	s26 =	simm.s32 $execute0_lowered;
	[smem:$0x3FD2] =	sst s25  }
0xa6: {  	s4 =	sshll.u32 s26, $0x1;
	_ =	strace $0x80000046;
	[dreg:$0x1] =	wrdreg $0xFFFFFFFF  }
0xa7: {  	s28 =	simm.s32 $_size_execute0_lowered;
	s2 =	sadd.s32 s2, s4;
	[dreg:$0x0] =	wrdreg $0x0  }
0xa8: {  	s4 =	sshll.u32 s28, $0x1;
	[dreg:$0x2] =	wrdreg s2  }
0xa9: {  	[dreg:$0x3] =	wrdreg s4  }
0xaa: {  	[dreg:$0x4] =	wrdreg $0xC0  }
0xab: {  	_ =	task [dreg:s6], $0x5FFFF  }
0xac: {  	[dreg:$0x1] =	wrdreg $0xFFFFFFFF  }
0xad: {  	[dreg:$0x0] =	wrdreg $0x60  }
0xae: {  	[dreg:$0x2] =	wrdreg s24  }
0xaf: {  	[dreg:$0x3] =	wrdreg $0x9  }
0xb0: {  	_ =	task.clear_ibuf [dreg:s6], $0x4FFFF;
	_ =	strace $0x90000046  }
0xb1: {  	s29 =	simm.s32 $0x9;
	_ =	strace $0x80000048  }
0xb2: {  	_ =	swait.ge [sflag:s29], $0x1  }
0xb3: {  	[sflag:s29] =	ssyncadd.s32 $0xFFFFFFFF  }
0xb4: {  	_ =	strace $0x90000048  }
0xb5: {  	_ =	sfence  }
0xb6: {  	s30 =	sld [smem:$0x0];
	_ =	sdelay $0x2  }
0xb7: {  	s31 =	sshll.u32 s1, $0xD;
	s1 =	sshrl.u32 s1, $0x2  }
0xb8: {  	s3 =	sand.u32 $0x4000, s31;
	s1 =	sadd.s32 s1, s30  }
0xb9: {  	s0 =	sor.u32 s3, s0;
	s1 =	sshll.u32 s1, $0x11  }
0xba: {  	s0 =	sor.u32 s1, s0  }
0xbb: {  	s0 =	sadd.s32 $0x8F2B, s0  }
0xbc: {  	[sflag:s0] =	ssyncadd.remote.s32 $0x1  }
0xbd: {  	_ =	sfence.sel $0xFFFF  }
0xbe: {  	[dreg:$0x0] =	wrdreg $0xFFFFFFFF;
	(pc) =	sbr.abs _section_cstart, $3  }
0xbf: {  	[dreg:$0x1] =	wrdreg $0xFFFFFFFF  }
0xc0: {  	_ =	task.clear_ibuf [dreg:s6], $0x2FFFF;
	_ =	strace $0x9FFFFFFF  }
0xc1: {  	(tm) =	ssettm $0x7FFFFFFF  }
tec
execute0_lowered:
.L_overlay_start_1:
0x0: {  	(tag) =	ssettag $0x1  }
0x1: {  	s1 =	srdreg.scid;
	s0 =	stileid.u32  }
0x2: {  	s4 =	rddreg [dreg:$0x0];
	s9 =	simm.s32 $0x400;
	s3 =	sand.u32 $0x1, s1  }
0x3: {  	s10 =	simm.s32 $0x0;
	s2 =	sshrl.u32 s0, $0x3;
	s5 =	smul.u32 $0x28000, s3  }
0x4: {  	s1 =	rddreg [dreg:$0x1];
	s8 =	sshll.u32 s0, $0x7;
	s6 =	smul.u32 $0x14000, s2  }
0x5: {  	s2 =	simm.s32 $0x0;
	s7 =	sshll.u32 s3, $0x4;
	s29 =	sand.u32 $0x380, s8  }
0x6: {  	s3 =	ssub.s32 $0x2, s3;
	s8 =	simm.s32 $0x80;
	s7 =	sor.u32 s0, s7  }
0x7: {  	[smem:$0x7FF] =	sst s2;
	s5 =	sadd.s32 s5, s6;
	s7 =	smul.u32 $0x4E2, s7  }
0x8: {  	s31 =	sshrl.u32 s3, $0x1;
	_ =	strace $0x80000047;
	s5 =	sor.u32 s29, s5  }
0x9: {  	s6 =	simm.s32 $0x1;
	s5 =	sshrl.u32 s5, $0x3;
	s30 =	sadd.s32 s7, s4  }
0xa: {  	s7 =	simm.s32 $0x2780;
	s4 =	sadd.s32 s5, s4;
	s5 =	ssub.s32 s3, s31  }
0xb: {  	v0 =	vimm.f32 $0.0e+00;
	v1 =	vimm.f32 $1.000000000e+00;
	s3 =	sadd.s32 $0x1400, s30;
	s4 =	sadd.s32 $0x15000, s4;
	s5 =	smax.u32 s5, $0x1  }
.LBB2_1:
0xc: {  	[tilespmem:s2], [sflag:$0x1] =	stream.linear.gather [hbm4b:s3+s2], $0x2710, $0x38;
	[tilespmem:$0x4F80] =	vst v63  }
0xd: {  	_ =	swait.ge [sflag:s6], $0x2710  }
0xe: {  	[sflag:s6] =	ssyncset.done $0x0  }
0xf: {  	s11 =	simm.s32 $0x0;
	[sflag:s6] =	ssyncadd.s32 $0xFFFFD8F0  }
.LBB2_2:
0x10: {  	p0 =	sne.s32 s11, $0x9FC0  }
.Ltmp0:
0x11: {  	_ = 	snop;
	(pc) =	sbr.rel @p0 .LBB2_2-.Ltmp0, $3  }
0x12: {  	_ =	sdelay $0x1  }
0x13: {  	s12 =	sshra.s32 s11, $0x2  }
0x14: {  	s11 =	sadd.s32 $0x40, s11;
	[tilespmem:s12+$0x2780] =	vst v0  }
0x15: {  	s12 =	simm.s32 $0x0;
	s11 =	simm.s32 $0x40  }
.LBB2_4:
0x16: {  	p0 =	sne.s32 s11, $0x9C00;
	v2 =	vld [tilespmem:s12+$0x0];
	_ =	sdelay $0x3  }
.Ltmp1:
0x17: {  	(pc) =	sbr.rel @p0 .LBB2_4-.Ltmp1, $2  }
0x18: {  	_ =	sdelay $0x2  }
0x19: {  	s12 =	sshra.s32 s11, $0x2;
	s11 =	sadd.s32 $0x40, s11;
	[tilespmem:v2+s7+$0x0] =	vst.idx.add.f32.msk $0xffff, v1  }
0x1a: {  	v2 =	vld [tilespmem:s12+$0x0];
	_ =	sdelay $0x5  }
0x1b: {  	s10 =	sadd.s32 $0x1, s10  }
0x1c: {  	p0 =	sne.s32 s10, s5  }
.Ltmp2:
0x1d: {  	[tilespmem:v2+s7+$0x0] =	vst.idx.add.f32.msk $0xffff, v1;
	(pc) =	sbr.rel @p0 .LBB2_1-.Ltmp2, $4  }
0x1e: {  	[hbm4b:s4+s8] =	stream.strided.scatter [tilespmem:s7], [sflag:$0x1], $0x2800, s9, s8, $0x38;
	[tilespmem:$0x4F80] =	vst v63  }
0x1f: {  	_ =	swait.ge [sflag:s6], $0x2800  }
0x20: {  	[sflag:s6] =	ssyncset.done $0x0  }
0x21: {  	[sflag:s6] =	ssyncadd.s32 $0xFFFFD800  }
0x22: {  	_ =	sfence.sel $0x180000  }
0x23: {  	[bflag:$0x0] =	sbarrier.arrive $0xFFFF  }
0x24: {  	p0 =	sne.s32 s0, $0x0;
	_ =	strace $0x90000047  }
0x25: {  	s0 =	sadd.s32 @!p0 $0x100000, s1;
	[bflag:$0x2] =	sbarrier.arrive $0xFFFF  }
0x26: {  	[sflag:s0] =	ssyncadd.tile.s32 @!p0 $0x1;
	_ =	shalt  }
.Lfunc_end2:
_tile_overlayer_lowered:
.L_overlay_start_2:
0x27: {  	(tag) =	ssettag $0x2  }
0x28: {  	s0 =	rddreg [dreg:$0x0];
	s2 =	stileid.u32  }
0x29: {  	s1 =	rddreg [dreg:$0x1];
	p0 =	sne.s32 s2, $0x0  }
0x2a: {  	s3 =	rddreg [dreg:$0x2];
	[bflag:$0x3] =	sbarrier.arrive $0xFFFF;
	s2 =	simm.s32 @!p0 $0x1C01  }
0x2b: {  	[timem:s3], [sflag:s2] =	dma.local @!p0 [hbm:s0], s1  }
0x2c: {  	s0 =	simm.s32 @!p0 $0x1  }
0x2d: {  	_ =	swait.ge @!p0 [sflag:s0], s1  }
0x2e: {  	s1 =	ssub.s32 @!p0 $0x0, s1;
	[sflag:s0] =	ssyncset.done @!p0 $0x0  }
0x2f: {  	[sflag:s0] =	ssyncadd.s32 @!p0 s1  }
0x30: {  	[bflag:$0x3] =	sbarrier.arrive $0xFFFF  }
0x31: {  	_ =	shalt  }

// kernel: kernel.9.cloned.1.call-start
scs
__scs_entry_jumppad:
0x0: {  	(pc) =	sbr.rel $0x88, $3  }
0x1: {  	(tag) =	ssettag $0x0;
	lr =	simm.s32 $0x1  }
0x2: {  	[smem:$0x3F9E] =	sst lr;
	_ =	strace $0xD0000000  }
0x3: {  	_ = 	snop  }
0x4: {  	_ = 	snop  }
0x5: {  	_ = 	snop  }
0x6: {  	_ = 	snop  }
0x7: {  	_ = 	snop  }
__scs_overlays_trampoline_lowered:
0x8: {  	[smem:$0x3FAD] =	sst s0  }
0x9: {  	[smem:$0x3FAE] =	sst s1  }
0xa: {  	[smem:$0x3FAF] =	sst s2  }
0xb: {  	[smem:$0x3FB0] =	sst s3  }
0xc: {  	[smem:$0x3FB1] =	sst s4  }
0xd: {  	[smem:$0x3FB2] =	sst s5  }
0xe: {  	[smem:$0x3FB3] =	sst s6  }
0xf: {  	[smem:$0x3FB4] =	sst s7  }
0x10: {  	[smem:$0x3FB5] =	sst s8  }
0x11: {  	[smem:$0x3FB6] =	sst s9;
	s0 =	simm.s32 @!p0 $0x0  }
0x12: {  	s1 =	sld [smem:$0x3F9C];
	s0 =	simm.s32 @p0 $0x1  }
0x13: {  	[smem:$0x3FB7] =	sst s0;
	s0 =	simm.s32 @!p1 $0x0  }
0x14: {  	s2 =	sld [smem:$0x3F9B];
	s0 =	simm.s32 @p1 $0x1  }
0x15: {  	[smem:$0x3FB8] =	sst s0;
	s0 =	simm.s32 @!p2 $0x0  }
0x16: {  	s3 =	sld [smem:$0x3FDB];
	s0 =	simm.s32 @p2 $0x1  }
0x17: {  	s4 =	simm.s32 $0x1BF5;
	[smem:$0x3FBA] =	sst s0  }
0x18: {  	s0 =	sld [smem:$0x3F9D];
	_ =	swait.ge [sflag:s4], $0x0  }
0x19: {  	s7 =	sld [smem:$0x3F9E]  }
0x1a: {  	s8 =	sadd.s32 $0xFFFFE003, lr  }
0x1b: {  	s9 =	sadd.s32 $0xFFFFFEF7, lr;
	s5 =	simm.s32 $0xFFFFFFFF;
	p2 =	slt.u32 s8, $0xFFFFF086  }
0x1c: {  	p1 =	slt.u32 s9, $0xF7A;
	s5 =	simm.s32 @!p2 $0x0  }
0x1d: {  	s5 =	simm.s32 @p1 $0x1;
	p0 =	seq.s32 s7, s2  }
0x1e: {  	s7 =	smul.u32 @!p0 $0xF7A, s2;
	p2 =	seq.s32 @!p0 s5, $0x0  }
0x1f: {  	s9 =	smul.u32 $0xF7A, s1;
	s8 =	simm.s32 @!p0 $0x1BF5;
	p2 =	por !p2, p0  }
0x20: {  	[sflag:s8] =	ssyncset.s32 @!p0 $0xFFFFF086;
	s6 =	sadd.s32 @!p0 s3, s7;
	s7 =	simm.s32 @!p0 $0x108  }
0x21: {  	s3 =	sadd.s32 s3, s9;
	s6 =	sadd.s32 @!p0 $0x88, s6;
	s7 =	simm.s32 @p2 $0x1082  }
0x22: {  	[simem:s7], [sflag:s8] =	dma.local @!p0 [hbm:s6], $0xF7A  }
0x23: {  	s9 =	sor.u32 $0xD0000000, s2;
	s6 =	simm.s32 $0x108;
	_ =	swait.ge @!p0 [sflag:s8], $0x0  }
0x24: {  	s3 =	sadd.s32 $0x88, s3;
	s6 =	simm.s32 @!p1 $0x1082;
	[sflag:s4] =	ssyncset.s32 $0xFFFFF086  }
0x25: {  	[simem:s6], [sflag:s4] =	dma.local [hbm:s3], $0xF7A  }
0x26: {  	[smem:$0x3F9E] =	sst s1;
	(tag) =	ssettag s2;
	_ =	strace s9  }
0x27: {  	s1 =	sld [smem:$0x3FAE]  }
0x28: {  	s2 =	sld [smem:$0x3FAF]  }
0x29: {  	s4 =	sld [smem:$0x3FB1]  }
0x2a: {  	p0 =	seq.s32 s5, $0x0;
	s5 =	sld [smem:$0x3FB2]  }
0x2b: {  	s6 =	sld [smem:$0x3FB3]  }
0x2c: {  	s7 =	sld [smem:$0x3FB4]  }
0x2d: {  	s3 =	simm.s32 $0x108;
	s8 =	sld [smem:$0x3FB5]  }
0x2e: {  	s3 =	simm.s32 @!p0 $0x1082;
	s9 =	sld [smem:$0x3FB6]  }
0x2f: {  	lr =	sadd.s32 s0, s3;
	s0 =	sld [smem:$0x3FAD]  }
0x30: {  	s3 =	sld [smem:$0x3FB0]  }
0x31: {  	[smem:$0x3FB9] =	sst s10  }
0x32: {  	s10 =	sld [smem:$0x3FB7];
	_ =	sdelay $0x3  }
0x33: {  	p0 =	seq.s32 s10, $0x1;
	s10 =	sld [smem:$0x3FB9];
	_ =	sdelay $0x3  }
0x34: {  	[smem:$0x3FB9] =	sst s10  }
0x35: {  	s10 =	sld [smem:$0x3FB8];
	_ =	sdelay $0x3  }
0x36: {  	p1 =	seq.s32 s10, $0x1;
	s10 =	sld [smem:$0x3FB9];
	_ =	sdelay $0x3  }
0x37: {  	[smem:$0x3FB9] =	sst s10  }
0x38: {  	s10 =	sld [smem:$0x3FBA]  }
0x39: {  	_ = 	snop;
	(pc) =	sbr.ind lr, $3  }
0x3a: {  	_ = 	snop  }
0x3b: {  	_ = 	snop  }
0x3c: {  	p2 =	seq.s32 s10, $0x1;
	s10 =	sld [smem:$0x3FB9]  }
0x3d: {  	_ =	shalt  }
0x3e: {  	_ =	shalt  }
0x3f: {  	_ =	shalt  }
0x40: {  	_ =	shalt  }
0x41: {  	_ =	shalt  }
0x42: {  	_ =	shalt  }
0x43: {  	_ =	shalt  }
0x44: {  	_ =	shalt  }
0x45: {  	_ =	shalt  }
0x46: {  	_ =	shalt  }
0x47: {  	_ =	shalt  }
0x48: {  	_ =	shalt  }
0x49: {  	_ =	shalt  }
0x4a: {  	_ =	shalt  }
0x4b: {  	_ =	shalt  }
0x4c: {  	_ =	shalt  }
0x4d: {  	_ =	shalt  }
0x4e: {  	_ =	shalt  }
0x4f: {  	_ =	shalt  }
0x50: {  	_ =	shalt  }
0x51: {  	_ =	shalt  }
0x52: {  	_ =	shalt  }
0x53: {  	_ =	shalt  }
0x54: {  	_ =	shalt  }
0x55: {  	_ =	shalt  }
0x56: {  	_ =	shalt  }
0x57: {  	_ =	shalt  }
0x58: {  	_ =	shalt  }
0x59: {  	_ =	shalt  }
0x5a: {  	_ =	shalt  }
0x5b: {  	_ =	shalt  }
0x5c: {  	_ =	shalt  }
0x5d: {  	_ =	shalt  }
0x5e: {  	_ =	shalt  }
0x5f: {  	_ =	shalt  }
0x60: {  	_ =	shalt  }
0x61: {  	_ =	shalt  }
0x62: {  	_ =	shalt  }
0x63: {  	_ =	shalt  }
0x64: {  	_ =	shalt  }
0x65: {  	_ =	shalt  }
0x66: {  	_ =	shalt  }
0x67: {  	_ =	shalt  }
0x68: {  	_ =	shalt  }
0x69: {  	_ =	shalt  }
0x6a: {  	_ =	shalt  }
0x6b: {  	_ =	shalt  }
0x6c: {  	_ =	shalt  }
0x6d: {  	_ =	shalt  }
0x6e: {  	_ =	shalt  }
0x6f: {  	_ =	shalt  }
0x70: {  	_ =	shalt  }
0x71: {  	_ =	shalt  }
0x72: {  	_ =	shalt  }
0x73: {  	_ =	shalt  }
0x74: {  	_ =	shalt  }
0x75: {  	_ =	shalt  }
0x76: {  	_ =	shalt  }
0x77: {  	_ =	shalt  }
0x78: {  	_ =	shalt  }
0x79: {  	_ =	shalt  }
0x7a: {  	_ =	shalt  }
0x7b: {  	_ =	shalt  }
0x7c: {  	_ =	shalt  }
0x7d: {  	_ =	shalt  }
0x7e: {  	_ =	shalt  }
0x7f: {  	_ =	shalt  }
0x80: {  	_ =	shalt  }
0x81: {  	_ =	shalt  }
0x82: {  	_ =	shalt  }
0x83: {  	_ =	shalt  }
0x84: {  	_ =	shalt  }
0x85: {  	_ =	shalt  }
0x86: {  	_ =	shalt  }
0x87: {  	_ =	shalt  }
.Lfunc_end0:
.L_simem_size_0:
called_computation.1_lowered:
.L_overlay_start_0:
0x88: {  	s2 =	sld [smem:$0x3FD9]  }
0x89: {  	s3 =	sld [smem:$0x3FFE];
	_ =	sdelay $0x1  }
0x8a: {  	s1 =	srdreg.scid  }
0x8b: {  	s0 =	sand.u32 $0x1, s1  }
0x8c: {  	s17 =	sshll.u32 s0, $0xA;
	s2 =	sadd.s32 s3, s2  }
0x8d: {  	s2 =	sadd.s32 s2, s17  }
0x8e: {  	[smem:$0x3FC5] =	sst s2  }
0x8f: {  	_ = 	snop  }
0x90: {  	s2 =	sld [smem:$0x3FD0];
	(tm) =	ssettm $0x1  }
0x91: {  	s18 =	sld [smem:$0x3FFB];
	_ =	sdelay $0x3  }
0x92: {  	_ =	strace s18  }
0x93: {  	s3 =	sld [smem:$0x3FFC];
	_ =	sdelay $0x3  }
0x94: {  	_ =	strace s3  }
0x95: {  	s3 =	sld [smem:$0x3FFD];
	_ =	sdelay $0x3  }
0x96: {  	_ =	strace s3  }
0x97: {  	_ =	strace $0x8FFFFFFF  }
0x98: {  	s19 =	sld [smem:$0x3FDB];
	_ =	sdelay $0x1  }
0x99: {  	s4 =	simm.s32 $_scs_section_size  }
0x9a: {  	s5 =	simm.s32 $_size__tile_overlayer_lowered;
	s6 =	simm.s32 $_tile_overlayer_lowered  }
0x9b: {  	s22 =	simm.s32 $0x1BFF;
	s21 =	sshll.u32 s6, $0x1;
	s3 =	sadd.s32 s4, s19  }
0x9c: {  	s7 =	simm.s32 $0x0;
	s20 =	sshll.u32 s5, $0x1;
	s5 =	sadd.s32 s21, s3  }
0x9d: {  	[timem:s7], [sflag:s22] =	dma.local [hbm:s5], s20  }
0x9e: {  	_ =	swait.ge [sflag:s22], s20  }
0x9f: {  	s4 =	ssub.s32 $0x0, s20;
	[sflag:s22] =	ssyncset.done $0x0  }
0xa0: {  	[sflag:s22] =	ssyncadd.s32 s4;
	_ =	sdelay $0x1  }
0xa1: {  	s23 =	simm.s32 $0x1B8B  }
0xa2: {  	_ =	swait.ge [sflag:s23], $0x1  }
0xa3: {  	[sflag:s23] =	ssyncset.done $0x0  }
0xa4: {  	s25 =	simm.s32 $0x1B8E;
	s24 =	sld [smem:$0x3FFE];
	[sflag:s23] =	ssyncadd.s32 $0xFFFFFFFF  }
0xa5: {  	s26 =	simm.s32 $execute0_lowered;
	[smem:$0x3FD2] =	sst s25  }
0xa6: {  	s5 =	sshll.u32 s26, $0x1;
	_ =	strace $0x80000049;
	[dreg:$0x1] =	wrdreg $0xFFFFFFFF  }
0xa7: {  	s28 =	simm.s32 $_size_execute0_lowered;
	s3 =	sadd.s32 s3, s5;
	[dreg:$0x0] =	wrdreg $0x0  }
0xa8: {  	s5 =	sshll.u32 s28, $0x1;
	[dreg:$0x2] =	wrdreg s3  }
0xa9: {  	[dreg:$0x3] =	wrdreg s5  }
0xaa: {  	[dreg:$0x4] =	wrdreg $0xC0  }
0xab: {  	_ =	task [dreg:s7], $0x5FFFF  }
0xac: {  	[dreg:$0x1] =	wrdreg $0xFFFFFFFF  }
0xad: {  	[dreg:$0x0] =	wrdreg $0x60  }
0xae: {  	[dreg:$0x2] =	wrdreg s24  }
0xaf: {  	[dreg:$0x3] =	wrdreg s2  }
0xb0: {  	[dreg:$0x4] =	wrdreg $0x91000  }
0xb1: {  	[dreg:$0x5] =	wrdreg $0x9  }
0xb2: {  	_ =	task.clear_ibuf [dreg:s7], $0x6FFFF;
	_ =	strace $0x90000049  }
0xb3: {  	s29 =	simm.s32 $0x9;
	_ =	strace $0x8000004B  }
0xb4: {  	_ =	swait.ge [sflag:s29], $0x1  }
0xb5: {  	[sflag:s29] =	ssyncadd.s32 $0xFFFFFFFF  }
0xb6: {  	_ =	strace $0x9000004B  }
0xb7: {  	_ =	sfence  }
0xb8: {  	s30 =	sld [smem:$0x0];
	_ =	sdelay $0x2  }
0xb9: {  	s31 =	sshll.u32 s1, $0xD;
	s1 =	sshrl.u32 s1, $0x2  }
0xba: {  	s3 =	sand.u32 $0x4000, s31;
	s1 =	sadd.s32 s1, s30  }
0xbb: {  	s0 =	sor.u32 s3, s0;
	s1 =	sshll.u32 s1, $0x11  }
0xbc: {  	s0 =	sor.u32 s1, s0  }
0xbd: {  	s0 =	sadd.s32 $0x8F2B, s0  }
0xbe: {  	[sflag:s0] =	ssyncadd.remote.s32 $0x1  }
0xbf: {  	_ =	sfence.sel $0xFFFF  }
0xc0: {  	[dreg:$0x0] =	wrdreg $0xFFFFFFFF;
	(pc) =	sbr.abs _section_cstart, $3  }
0xc1: {  	[dreg:$0x1] =	wrdreg $0xFFFFFFFF  }
0xc2: {  	_ =	task.clear_ibuf [dreg:s7], $0x2FFFF;
	_ =	strace $0x9FFFFFFF  }
0xc3: {  	(tm) =	ssettm $0x7FFFFFFF  }
tec
execute0_lowered:
.L_overlay_start_1:
0x0: {  	(tag) =	ssettag $0x1  }
0x1: {  	s0 =	rddreg [dreg:$0x0]  }
0x2: {  	s8 =	rddreg [dreg:$0x1]  }
0x3: {  	s1 =	rddreg [dreg:$0x2]  }
0x4: {  	s3 =	simm.s32 $0x0;
	s2 =	srdreg.scid;
	s22 =	stileid.u32  }
0x5: {  	s16 =	simm.s32 $0x4000;
	s17 =	simm.s32 $0x4100;
	s18 =	simm.s32 $0x5  }
0x6: {  	s19 =	simm.s32 $0x4080;
	s20 =	simm.s32 $0x6900;
	s21 =	simm.s32 $0x1  }
0x7: {  	s29 =	simm.s32 $0x3E00;
	s30 =	simm.s32 $0x0;
	s9 =	smul.u32 $0x14000, s22  }
0x8: {  	[smem:$0x7FF] =	sst s3;
	s7 =	sand.u32 $0x1, s2;
	s25 =	smul.u32 $0x2710, s22  }
0x9: {  	s4 =	sadd.s32 $0x15000, s0;
	s5 =	sadd.s32 $0xB200, s0;
	s14 =	smul.u32 $0x50000, s22  }
0xa: {  	s6 =	smul.u32 $0x140000, s7;
	_ =	strace $0x8000004A;
	s10 =	sshll.u32 s7, $0x4  }
0xb: {  	s11 =	ssub.s32 $0x2, s7;
	s13 =	smul.u32 $0x27100, s7;
	s10 =	sor.u32 s22, s10  }
0xc: {  	s23 =	sshrl.u32 s11, $0x1;
	s9 =	sadd.s32 s9, s6;
	s6 =	smul.u32 $0x280, s22  }
0xd: {  	s28 =	sshrl.u32 s14, $0x2;
	s12 =	smul.u32 $0x2710, s10;
	s11 =	ssub.s32 s11, s23  }
0xe: {  	s26 =	sshll.u32 s10, $0xB;
	s15 =	sadd.s32 s25, s13;
	s22 =	simm.s32 $0x3  }
0xf: {  	s23 =	simm.s32 $0x2;
	s9 =	sshrl.u32 s9, $0x3;
	s8 =	sadd.s32 s8, s26  }
0x10: {  	s11 =	smax.u32 s11, $0x1;
	s14 =	sadd.s32 $0xA0, s15;
	s0 =	sadd.s32 s9, s0  }
0x11: {  	s24 =	sshrl.u32 s12, $0x3;
	s12 =	sadd.s32 $0xF0, s15;
	s15 =	simm.s32 $0x50  }
0x12: {  	s7 =	sadd.s32 s5, s24;
	s10 =	sadd.s32 $0x3D000, s0;
	s0 =	sadd.s32 s28, s1  }
0x13: {  	s31 =	sshrl.u32 s12, $0x3;
	s24 =	simm.s32 $0x4;
	s9 =	sadd.s32 $0xA, s7  }
0x14: {  	v0 =	vimm.f32 $0.0e+00;
	v1 =	vlaneseq.u32;
	s12 =	sadd.s32 $0x4D8, s7;
	s13 =	sadd.s32 s31, s5;
	s25 =	sshrl.u32 s0, $0x3  }
.LBB2_1:
0x15: {  	s0 =	simm.s32 $0x70;
	s26 =	simm.s32 $0x3C0  }
.LBB2_2:
0x16: {  	p0 =	sne.s32 s26, $0x9FC0;
	[tilespmem:s0+$0x4100] =	vst v0  }
0x17: {  	[tilespmem:s0+$0x4090] =	vst v0  }
0x18: {  	[tilespmem:s0+$0x40A0] =	vst v0  }
.Ltmp0:
0x19: {  	[tilespmem:s0+$0x40B0] =	vst v0;
	(pc) =	sbr.rel @p0 .LBB2_2-.Ltmp0, $4  }
0x1a: {  	[tilespmem:s0+$0x40C0] =	vst v0  }
0x1b: {  	[tilespmem:s0+$0x40D0] =	vst v0  }
0x1c: {  	[tilespmem:s0+$0x40E0] =	vst v0  }
0x1d: {  	[tilespmem:s0+$0x40F0] =	vst v0;
	s0 =	sshra.s32 s26, $0x2;
	s26 =	sadd.s32 $0x200, s26  }
0x1e: {  	[tilespmem:s0+$0x4100] =	vst v0  }
0x1f: {  	[tilespmem:s0+$0x4090] =	vst v0  }
0x20: {  	[tilespmem:s0+$0x40A0] =	vst v0  }
0x21: {  	[tilespmem:s0+$0x40B0] =	vst v0  }
0x22: {  	[tilespmem:s0+$0x40C0] =	vst v0  }
0x23: {  	[tilespmem:s0+$0x40D0] =	vst v0  }
0x24: {  	[tilespmem:s0+$0x40E0] =	vst v0;
	s26 =	sadd.s32 $0x0, s6  }
0x25: {  	[tilespmem:s0+$0x40F0] =	vst v0;
	v2 =	vor.u32 s26, v1;
	s2 =	sadd.s32 $0x40, s26  }
0x26: {  	s31 =	sadd.s32 $0x30, s26;
	[tilespmem:$0x4000] =	vst v2;
	v2 =	vor.u32 s2, v1  }
0x27: {  	s28 =	sadd.s32 $0x20, s26;
	v3 =	vor.u32 s31, v1;
	[tilespmem:$0x4040] =	vst v2  }
0x28: {  	s0 =	simm.s32 $0x50;
	s26 =	sadd.s32 $0x10, s26;
	v2 =	vor.u32 s28, v1;
	[tilespmem:$0x4030] =	vst v3  }
.LBB2_4:
0x29: {  	p0 =	sne.s32 s0, $0x230;
	v3 =	vor.u32 s26, v1;
	[tilespmem:$0x4020] =	vst v2  }
0x2a: {  	[tilespmem:$0x4010] =	vst v3;
	[spmem:s1] =	stream.indirect.scatter [tilespmem:s17], [sflag:$0x5], $0x80, s16, s15, $0xb8  }
0x2b: {  	_ =	swait.ge [sflag:s18], $0x2800  }
.Ltmp1:
0x2c: {  	s26 =	sadd.s32 s0, s6;
	[sflag:s18] =	ssyncset.done $0x0;
	(pc) =	sbr.rel @p0 .LBB2_4-.Ltmp1, $4  }
0x2d: {  	v2 =	vor.u32 s26, v1;
	s31 =	sadd.s32 $0x40, s26;
	[sflag:s18] =	ssyncadd.s32 $0xFFFFD800  }
0x2e: {  	s2 =	sadd.s32 $0x30, s26;
	[tilespmem:$0x4000] =	vst v2;
	v2 =	vor.u32 s31, v1  }
0x2f: {  	v3 =	vor.u32 s2, v1;
	s31 =	sadd.s32 $0x20, s26;
	[tilespmem:$0x4040] =	vst v2  }
0x30: {  	s0 =	sadd.s32 $0x50, s0;
	s26 =	sadd.s32 $0x10, s26;
	v2 =	vor.u32 s31, v1;
	[tilespmem:$0x4030] =	vst v3  }
0x31: {  	v3 =	vor.u32 s26, v1;
	[tilespmem:$0x4020] =	vst v2  }
0x32: {  	[tilespmem:$0x4010] =	vst v3  }
0x33: {  	[spmem:s1] =	stream.indirect.scatter [tilespmem:s17], [sflag:$0x5], $0x80, s16, s15, $0xb8;
	[tilespmem:$0x1D100] =	vst v63  }
0x34: {  	_ =	swait.ge [sflag:s18], $0x2800  }
0x35: {  	[sflag:s18] =	ssyncset.done $0x0  }
0x36: {  	[sflag:s18] =	ssyncadd.s32 $0xFFFFD800  }
0x37: {  	s0 =	simm.s32 $0x0;
	[bflag:$0x0] =	sbarrier.arrive $0xFFFF  }
0x38: {  	[tilespmem:s0], [sflag:$0x5] =	stream.linear.gather [hbm4b:s8+s0], $0x3E80, $0x38;
	[tilespmem:$0x1D100] =	vst v63  }
0x39: {  	_ =	swait.ge [sflag:s18], $0x3E80  }
0x3a: {  	[sflag:s18] =	ssyncset.done $0x0  }
0x3b: {  	[sflag:s18] =	ssyncadd.s32 $0xFFFFC180  }
0x3c: {  	[tilespmem:s16], [sflag:$0x5] =	stream.linear.gather [hbm4b:s7+s0], $0x50, $0x38;
	[tilespmem:$0x1D100] =	vst v63  }
0x3d: {  	_ =	swait.ge [sflag:s18], $0x50  }
0x3e: {  	[sflag:s18] =	ssyncset.done $0x0  }
0x3f: {  	[sflag:s18] =	ssyncadd.s32 $0xFFFFFFB0  }
0x40: {  	[tilespmem:s17], [sflag:$0x1] =	stream.indirect.gather [hbm4b:s4+s15], $0x80, s16, s15, $0xb8;
	[tilespmem:$0x1D100] =	vst v63  }
0x41: {  	_ = 	snop  }
0x42: {  	[tilespmem:s19], [sflag:$0x5] =	stream.linear.gather [hbm4b:s9+s0], $0x50, $0x38;
	[tilespmem:$0x1D100] =	vst v63  }
0x43: {  	_ =	swait.ge [sflag:s18], $0x50  }
0x44: {  	[sflag:s18] =	ssyncset.done $0x0  }
0x45: {  	[sflag:s18] =	ssyncadd.s32 $0xFFFFFFB0  }
0x46: {  	[tilespmem:s20], [sflag:$0x2] =	stream.indirect.gather [hbm4b:s4+s15], $0x80, s19, s15, $0xb8;
	[tilespmem:$0x1D100] =	vst v63  }
0x47: {  	_ =	swait.ge [sflag:s21], $0x2800  }
0x48: {  	s28 =	sshrl.u32 s14, $0x3;
	[sflag:s21] =	ssyncset.done $0x0  }
0x49: {  	s0 =	sadd.s32 s5, s28;
	[sflag:s21] =	ssyncadd.s32 $0xFFFFD800  }
0x4a: {  	[tilespmem:s16], [sflag:$0x3] =	stream.linear.gather [hbm4b:s0+s3], $0x50, $0x38;
	[tilespmem:$0x1D100] =	vst v63  }
0x4b: {  	s2 =	simm.s32 $0x0  }
0x4c: {  	[spmem:s1] =	stream.indirect.scatter.add.f32 [tilespmem:s17], [sflag:$0x5], $0x80, s2, s15, $0xb8;
	[tilespmem:$0x1D100] =	vst v63  }
0x4d: {  	_ =	swait.ge [sflag:s18], $0x2800  }
0x4e: {  	[sflag:s18] =	ssyncset.done $0x0  }
0x4f: {  	[sflag:s18] =	ssyncadd.s32 $0xFFFFD800  }
0x50: {  	_ =	swait.ge [sflag:s22], $0x50  }
0x51: {  	[sflag:s22] =	ssyncset.done $0x0  }
0x52: {  	[sflag:s22] =	ssyncadd.s32 $0xFFFFFFB0  }
0x53: {  	[tilespmem:s17], [sflag:$0x1] =	stream.indirect.gather [hbm4b:s4+s15], $0x80, s16, s15, $0xb8;
	[tilespmem:$0x1D100] =	vst v63  }
0x54: {  	_ =	swait.ge [sflag:s23], $0x2800  }
0x55: {  	[sflag:s23] =	ssyncset.done $0x0  }
0x56: {  	s26 =	sadd.s32 $0x0, s13;
	[sflag:s23] =	ssyncadd.s32 $0xFFFFD800  }
0x57: {  	[tilespmem:s19], [sflag:$0x4] =	stream.linear.gather [hbm4b:s26+s3], $0x50, $0x38;
	[tilespmem:$0x1D100] =	vst v63  }
0x58: {  	s28 =	simm.s32 $0x80  }
0x59: {  	[spmem:s1] =	stream.indirect.scatter.add.f32 [tilespmem:s20], [sflag:$0x5], $0x80, s28, s15, $0xb8;
	[tilespmem:$0x1D100] =	vst v63  }
0x5a: {  	_ =	swait.ge [sflag:s18], $0x2800  }
0x5b: {  	[sflag:s18] =	ssyncset.done $0x0  }
0x5c: {  	[sflag:s18] =	ssyncadd.s32 $0xFFFFD800  }
0x5d: {  	_ =	swait.ge [sflag:s24], $0x50  }
0x5e: {  	s31 =	simm.s32 $0x14;
	[sflag:s24] =	ssyncset.done $0x0  }
0x5f: {  	s0 =	simm.s32 $0x180;
	s26 =	sadd.s32 $0xA0, s14;
	[sflag:s24] =	ssyncadd.s32 $0xFFFFFFB0  }
.LBB2_6:
0x60: {  	[tilespmem:s20], [sflag:$0x2] =	stream.indirect.gather [hbm4b:s4+s15], $0x80, s19, s15, $0xb8;
	[tilespmem:$0x1D100] =	vst v63  }
0x61: {  	s2 =	smov.u32 s31  }
0x62: {  	p0 =	sne.s32 s31, $0x4B0;
	s31 =	sadd.s32 $0x14, s31;
	_ =	swait.ge [sflag:s21], $0x2800  }
0x63: {  	s28 =	sshrl.u32 s26, $0x3;
	[sflag:s21] =	ssyncset.done $0x0  }
0x64: {  	s28 =	sadd.s32 s5, s28;
	[sflag:s21] =	ssyncadd.s32 $0xFFFFD800  }
0x65: {  	[tilespmem:s16], [sflag:$0x3] =	stream.linear.gather [hbm4b:s28+s3], $0x50, $0x38;
	[tilespmem:$0x1D100] =	vst v63  }
0x66: {  	s28 =	sadd.s32 $0xFFFFFF80, s0  }
0x67: {  	[spmem:s1] =	stream.indirect.scatter.add.f32 [tilespmem:s17], [sflag:$0x5], $0x80, s28, s15, $0xb8;
	[tilespmem:$0x1D100] =	vst v63  }
0x68: {  	_ =	swait.ge [sflag:s18], $0x2800  }
0x69: {  	[sflag:s18] =	ssyncset.done $0x0  }
0x6a: {  	[sflag:s18] =	ssyncadd.s32 $0xFFFFD800  }
0x6b: {  	_ =	swait.ge [sflag:s22], $0x50  }
0x6c: {  	[sflag:s22] =	ssyncset.done $0x0  }
0x6d: {  	[sflag:s22] =	ssyncadd.s32 $0xFFFFFFB0  }
0x6e: {  	[tilespmem:s17], [sflag:$0x1] =	stream.indirect.gather [hbm4b:s4+s15], $0x80, s16, s15, $0xb8;
	[tilespmem:$0x1D100] =	vst v63  }
0x6f: {  	_ =	swait.ge [sflag:s23], $0x2800  }
0x70: {  	[sflag:s23] =	ssyncset.done $0x0  }
0x71: {  	s2 =	sadd.s32 s2, s13;
	[sflag:s23] =	ssyncadd.s32 $0xFFFFD800  }
0x72: {  	[tilespmem:s19], [sflag:$0x4] =	stream.linear.gather [hbm4b:s2+s3], $0x50, $0x38;
	[tilespmem:$0x1D100] =	vst v63  }
0x73: {  	_ = 	snop  }
0x74: {  	[spmem:s1] =	stream.indirect.scatter.add.f32 [tilespmem:s20], [sflag:$0x5], $0x80, s0, s15, $0xb8;
	[tilespmem:$0x1D100] =	vst v63  }
0x75: {  	_ =	swait.ge [sflag:s18], $0x2800  }
.Ltmp2:
0x76: {  	[sflag:s18] =	ssyncset.done $0x0;
	(pc) =	sbr.rel @p0 .LBB2_6-.Ltmp2, $4  }
0x77: {  	[sflag:s18] =	ssyncadd.s32 $0xFFFFD800  }
0x78: {  	_ =	swait.ge [sflag:s24], $0x50  }
0x79: {  	[sflag:s24] =	ssyncset.done $0x0  }
0x7a: {  	s26 =	sadd.s32 $0xA0, s26;
	s0 =	sadd.s32 $0x100, s0;
	[sflag:s24] =	ssyncadd.s32 $0xFFFFFFB0  }
0x7b: {  	[tilespmem:s20], [sflag:$0x2] =	stream.indirect.gather [hbm4b:s4+s15], $0x80, s19, s15, $0xb8;
	[tilespmem:$0x1D100] =	vst v63  }
0x7c: {  	_ =	swait.ge [sflag:s21], $0x2800  }
0x7d: {  	[sflag:s21] =	ssyncset.done $0x0  }
0x7e: {  	[sflag:s21] =	ssyncadd.s32 $0xFFFFD800  }
0x7f: {  	[tilespmem:s16], [sflag:$0x3] =	stream.linear.gather [hbm4b:s12+s3], $0x50, $0x38;
	[tilespmem:$0x1D100] =	vst v63  }
0x80: {  	s0 =	simm.s32 $0x3D00  }
0x81: {  	[spmem:s1] =	stream.indirect.scatter.add.f32 [tilespmem:s17], [sflag:$0x5], $0x80, s0, s15, $0xb8;
	[tilespmem:$0x1D100] =	vst v63  }
0x82: {  	_ =	swait.ge [sflag:s18], $0x2800  }
0x83: {  	[sflag:s18] =	ssyncset.done $0x0  }
0x84: {  	[sflag:s18] =	ssyncadd.s32 $0xFFFFD800  }
0x85: {  	_ =	swait.ge [sflag:s22], $0x50  }
0x86: {  	[sflag:s22] =	ssyncset.done $0x0  }
0x87: {  	[sflag:s22] =	ssyncadd.s32 $0xFFFFFFB0  }
0x88: {  	[tilespmem:s17], [sflag:$0x1] =	stream.indirect.gather [hbm4b:s4+s15], $0x80, s16, s15, $0xb8;
	[tilespmem:$0x1D100] =	vst v63  }
0x89: {  	_ =	swait.ge [sflag:s23], $0x2800  }
0x8a: {  	[sflag:s23] =	ssyncset.done $0x0  }
0x8b: {  	[sflag:s23] =	ssyncadd.s32 $0xFFFFD800  }
0x8c: {  	[tilespmem:s19], [sflag:$0x4] =	stream.linear.gather [hbm4b:s12+s3], $0x50, $0x38;
	[tilespmem:$0x1D100] =	vst v63  }
0x8d: {  	s28 =	simm.s32 $0x3D80  }
0x8e: {  	[spmem:s1] =	stream.indirect.scatter.add.f32 [tilespmem:s20], [sflag:$0x5], $0x80, s28, s15, $0xb8;
	[tilespmem:$0x1D100] =	vst v63  }
0x8f: {  	_ =	swait.ge [sflag:s18], $0x2800  }
0x90: {  	[sflag:s18] =	ssyncset.done $0x0  }
0x91: {  	[sflag:s18] =	ssyncadd.s32 $0xFFFFD800  }
0x92: {  	_ =	swait.ge [sflag:s24], $0x50  }
0x93: {  	[sflag:s24] =	ssyncset.done $0x0  }
0x94: {  	[sflag:s24] =	ssyncadd.s32 $0xFFFFFFB0  }
0x95: {  	[tilespmem:s20], [sflag:$0x2] =	stream.indirect.gather [hbm4b:s4+s15], $0x80, s19, s15, $0xb8;
	[tilespmem:$0x1D100] =	vst v63  }
0x96: {  	_ =	swait.ge [sflag:s21], $0x2800  }
0x97: {  	[sflag:s21] =	ssyncset.done $0x0  }
0x98: {  	[sflag:s21] =	ssyncadd.s32 $0xFFFFD800  }
0x99: {  	[spmem:s1] =	stream.indirect.scatter.add.f32 [tilespmem:s17], [sflag:$0x5], $0x80, s29, s15, $0xb8;
	[tilespmem:$0x1D100] =	vst v63  }
0x9a: {  	_ =	swait.ge [sflag:s18], $0x2800  }
0x9b: {  	[sflag:s18] =	ssyncset.done $0x0  }
0x9c: {  	[sflag:s18] =	ssyncadd.s32 $0xFFFFD800  }
0x9d: {  	_ =	swait.ge [sflag:s23], $0x2800  }
0x9e: {  	s31 =	stileid.u32;
	s30 =	sadd.s32 $0x1, s30;
	[sflag:s23] =	ssyncset.done $0x0  }
0x9f: {  	p0 =	sne.s32 s30, s11;
	s0 =	sshll.u32 s31, $0x6;
	[sflag:s23] =	ssyncadd.s32 $0xFFFFD800  }
.Ltmp3:
0xa0: {  	s0 =	sor.u32 $0x1C05, s0;
	[bflag:$0x0] =	sbarrier.arrive $0xFFFF;
	(pc) =	sbr.rel @p0 .LBB2_1-.Ltmp3, $4  }
0xa1: {  	[hbm:s10], [sflag:s0] =	dma.local [spmem:s25], $0x2800  }
0xa2: {  	_ =	swait.ge [sflag:s18], $0x2800  }
0xa3: {  	[sflag:s18] =	ssyncset.done $0x0  }
0xa4: {  	[sflag:s18] =	ssyncadd.s32 $0xFFFFD800  }
0xa5: {  	_ =	sfence.sel $0x180000  }
0xa6: {  	[bflag:$0x0] =	sbarrier.arrive $0xFFFF  }
0xa7: {  	_ =	strace $0x9000004A  }
0xa8: {  	s0 =	stileid.u32;
	[bflag:$0x2] =	sbarrier.arrive $0xFFFF  }
0xa9: {  	p0 =	sne.s32 s0, $0x0;
	s0 =	rddreg [dreg:$0x3]  }
0xaa: {  	s0 =	sadd.s32 @!p0 $0x100000, s0  }
0xab: {  	[sflag:s0] =	ssyncadd.tile.s32 @!p0 $0x1;
	_ =	shalt  }
.Lfunc_end2:
_tile_overlayer_lowered:
.L_overlay_start_2:
0xac: {  	(tag) =	ssettag $0x2  }
0xad: {  	s0 =	rddreg [dreg:$0x0];
	s2 =	stileid.u32  }
0xae: {  	s1 =	rddreg [dreg:$0x1];
	p0 =	sne.s32 s2, $0x0  }
0xaf: {  	s3 =	rddreg [dreg:$0x2];
	[bflag:$0x3] =	sbarrier.arrive $0xFFFF;
	s2 =	simm.s32 @!p0 $0x1C05  }
0xb0: {  	[timem:s3], [sflag:s2] =	dma.local @!p0 [hbm:s0], s1  }
0xb1: {  	s0 =	simm.s32 @!p0 $0x5  }
0xb2: {  	_ =	swait.ge @!p0 [sflag:s0], s1  }
0xb3: {  	s1 =	ssub.s32 @!p0 $0x0, s1;
	[sflag:s0] =	ssyncset.done @!p0 $0x0  }
0xb4: {  	[sflag:s0] =	ssyncadd.s32 @!p0 s1  }
0xb5: {  	[bflag:$0x3] =	sbarrier.arrive $0xFFFF  }
0xb6: {  	_ =	shalt  }

</sc_bundles>
